<compile_context>
chip_gen: v7x
topology: tpu7x:2x2x1
jax: 0.10.2.dev20260603
libtpu: 0.0.44.dev20260713+nightly
codegen_flags: <defaults>
</compile_context>

<pallas_src>
import functools

import jax
import jax.numpy as jnp
from jax import lax
from jax.experimental import pallas as pl
from jax.experimental.pallas import tpu as pltpu
from jax.experimental.pallas import tpu_sc as plsc

N = 10000
E = 320000
D = 128

NC = 2
NT = 16
EPT = 10240
EP = EPT * NT * NC
NA = N + 8

DCH = 128
DNB = EPT // DCH
ACH = 128
ANB = EPT // ACH

_MESH = plsc.VectorSubcoreMesh(core_axis_name="c", subcore_axis_name="s")



@functools.partial(
    pl.kernel,
    mesh=_MESH,
    out_type=jax.ShapeDtypeStruct((NC, N, D), jnp.float32),
    scratch_types=[
        pltpu.VMEM((DNB, DCH), jnp.int32),
        pltpu.VMEM((DCH, D), jnp.float32),
        pltpu.VMEM_SHARED((NA, D), jnp.float32),
        pltpu.SemaphoreType.DMA,
    ],
)
def _deg_pass(dst2_hbm, ones_hbm, zeros_hbm, degp_hbm, idx_d, ones_v, acc_sh,
              dsem):
    cid = lax.axis_index("c")
    sid = lax.axis_index("s")
    wid = cid * NT + sid

    pltpu.sync_copy(dst2_hbm.at[pl.ds(wid * DNB, DNB)], idx_d)
    pltpu.sync_copy(ones_hbm, ones_v)

    @pl.when(sid < 10)
    def _():
        r = sid * 1000
        pltpu.sync_copy(zeros_hbm, acc_sh.at[pl.ds(r, 1000)])

    plsc.subcore_barrier()

    def body(k, carry):
        for b in range(8):
            pltpu.async_copy(ones_v, acc_sh.at[idx_d.at[k * 8 + b]], dsem,
                             add=True)
        for b in range(8):
            pltpu.make_async_copy(ones_v, acc_sh.at[idx_d.at[0]], dsem).wait()
        return carry

    lax.fori_loop(0, DNB // 8, body, 0)
    plsc.subcore_barrier()

    @pl.when(sid < 10)
    def _():
        r = sid * 1000
        pltpu.sync_copy(acc_sh.at[pl.ds(r, 1000)],
                        degp_hbm.at[cid, pl.ds(r, 1000)])



@functools.partial(
    pl.kernel,
    mesh=_MESH,
    out_type=jax.ShapeDtypeStruct((NC, N, D), jnp.float32),
    scratch_types=[
        pltpu.VMEM((3, ACH), jnp.int32),
        pltpu.VMEM((3, ACH), jnp.int32),
        pltpu.VMEM((3, ACH, D), jnp.float32),
        pltpu.VMEM_SHARED((NA, D), jnp.float32),
        pltpu.SemaphoreType.DMA,
        pltpu.SemaphoreType.DMA,
        pltpu.SemaphoreType.DMA,
        pltpu.SemaphoreType.DMA,
        pltpu.SemaphoreType.DMA,
        pltpu.SemaphoreType.DMA,
    ],
)
def _agg_pass(src1_hbm, dst1_hbm, g_hbm, zeros_hbm, accp_hbm,
              sidx, didx, rows, acc_sh, g0, g1, g2, i0, i1, i2):
    cid = lax.axis_index("c")
    sid = lax.axis_index("s")
    wid = cid * NT + sid
    gsem = (g0, g1, g2)
    isem = (i0, i1, i2)
    ebase = wid * EPT

    @pl.when(sid < 10)
    def _():
        r = sid * 1000
        pltpu.sync_copy(zeros_hbm, acc_sh.at[pl.ds(r, 1000)])

    plsc.subcore_barrier()

    for b in range(2):
        pltpu.sync_copy(src1_hbm.at[pl.ds(ebase + b * ACH, ACH)], sidx.at[b])
        pltpu.sync_copy(dst1_hbm.at[pl.ds(ebase + b * ACH, ACH)], didx.at[b])
        pltpu.async_copy(g_hbm.at[sidx.at[b]], rows.at[b], gsem[b])

    def body(k, carry):
        for b in range(3):
            c = k * 3 + b
            p = (b + 2) % 3
            pltpu.make_async_copy(g_hbm.at[sidx.at[b]], rows.at[b],
                                  gsem[b]).wait()
            pltpu.async_copy(
                src1_hbm.at[pl.ds(ebase + (c + 2) * ACH, ACH)], sidx.at[p],
                isem[p])
            pltpu.async_copy(
                dst1_hbm.at[pl.ds(ebase + (c + 2) * ACH, ACH)], didx.at[p],
                isem[p])
            pltpu.sync_copy(rows.at[b], acc_sh.at[didx.at[b]], add=True)
            pltpu.make_async_copy(
                src1_hbm.at[pl.ds(ebase, ACH)], sidx.at[p], isem[p]).wait()
            pltpu.make_async_copy(
                dst1_hbm.at[pl.ds(ebase, ACH)], didx.at[p], isem[p]).wait()
            pltpu.async_copy(g_hbm.at[sidx.at[p]], rows.at[p], gsem[p])
        return carry

    lax.fori_loop(0, (ANB - 2) // 3, body, 0)

    for c in (ANB - 2, ANB - 1):
        b = c % 3
        pltpu.make_async_copy(g_hbm.at[sidx.at[b]], rows.at[b],
                              gsem[b]).wait()
        pltpu.sync_copy(rows.at[b], acc_sh.at[didx.at[b]], add=True)

    plsc.subcore_barrier()

    @pl.when(sid < 10)
    def _():
        r = sid * 1000
        pltpu.sync_copy(acc_sh.at[pl.ds(r, 1000)],
                        accp_hbm.at[cid, pl.ds(r, 1000)])



_RB = 2000


def _mm_body(x_ref, w_ref, degp_ref, g_ref, dinv_ref):
    h = jnp.dot(x_ref[...], w_ref[...], preferred_element_type=jnp.float32)
    deg = degp_ref[0, :, 0:1] + degp_ref[1, :, 0:1] + 1.0
    dinv = lax.rsqrt(deg)
    g_ref[...] = h * dinv
    dinv_ref[...] = dinv


def _fin_body(accp_ref, g_ref, dinv_ref, b_ref, o_ref):
    acc = accp_ref[0] + accp_ref[1] + g_ref[...]
    o_ref[...] = jnp.maximum(acc * dinv_ref[...] + b_ref[...], 0.0)


def kernel(x, edge_index, w1, b1):
    src = edge_index[0]
    dst = edge_index[1]
    pad = EP - E
    src1 = jnp.concatenate([src, jnp.arange(pad, dtype=jnp.int32)])
    dst1 = jnp.concatenate([dst, jnp.full((pad,), N, jnp.int32)])
    dst2 = dst1.reshape(-1, DCH)
    ones = jnp.ones((DCH, D), jnp.float32)
    zeros = jnp.zeros((1000, D), jnp.float32)

    degp = _deg_pass(dst2, ones, zeros)

    g, dinv = pl.pallas_call(
        _mm_body,
        grid=(N // _RB,),
        in_specs=[
            pl.BlockSpec((_RB, D), lambda i: (i, 0)),
            pl.BlockSpec((D, D), lambda i: (0, 0)),
            pl.BlockSpec((NC, _RB, D), lambda i: (0, i, 0)),
        ],
        out_specs=[
            pl.BlockSpec((_RB, D), lambda i: (i, 0)),
            pl.BlockSpec((_RB, 1), lambda i: (i, 0)),
        ],
        out_shape=[
            jax.ShapeDtypeStruct((N, D), jnp.float32),
            jax.ShapeDtypeStruct((N, 1), jnp.float32),
        ],
    )(x, w1, degp)

    accp = _agg_pass(src1, dst1, g, zeros)

    out = pl.pallas_call(
        _fin_body,
        grid=(N // _RB,),
        in_specs=[
            pl.BlockSpec((NC, _RB, D), lambda i: (0, i, 0)),
            pl.BlockSpec((_RB, D), lambda i: (i, 0)),
            pl.BlockSpec((_RB, 1), lambda i: (i, 0)),
            pl.BlockSpec((1, D), lambda i: (0, 0)),
        ],
        out_specs=pl.BlockSpec((_RB, D), lambda i: (i, 0)),
        out_shape=jax.ShapeDtypeStruct((N, D), jnp.float32),
    )(accp, g, dinv, b1.reshape(1, D))

    return out

# --- scband reference (transcript-rebuilt; emitter-appended) ---
"""Pipeline reference for scband-gcnclient-48936857370856 (READ-ONLY COPY).

The authoritative reference and input builder live on the scoring server;
editing this copy changes nothing except your own understanding.
"""

import jax, jax.numpy as jnp
import numpy as np

N = 10000
E = 320000
D_IN = 128
D_HID = 128

def setup_inputs(seed: int = 0) -> dict:
    key = jax.random.key(seed)
    k1, k2, k3 = jax.random.split(key, 3)
    x = jax.random.normal(k1, (N, D_IN), dtype=jnp.float32)
    edge_index = jax.random.randint(k2, (2, E), 0, N, dtype=jnp.int32)
    # GCNConv layer-1 parameters (glorot-style init, zero bias, matching torch_geometric defaults)
    w1 = jax.random.normal(k3, (D_IN, D_HID), dtype=jnp.float32) * (1.0 / np.sqrt(D_IN))
    b1 = jnp.zeros((D_HID,), dtype=jnp.float32)
    return {"x": x, "edge_index": edge_index, "w1": w1, "b1": b1}


def gcn_conv(x, edge_index, w, b):
    # Faithful GCNConv: linear transform, add self-loops, symmetric normalization,
    # scatter-add aggregation over destination nodes, then bias.
    n = x.shape[0]
    h = x @ w
    src = edge_index[0]
    dst = edge_index[1]
    loop = jnp.arange(n, dtype=edge_index.dtype)
    src = jnp.concatenate([src, loop])
    dst = jnp.concatenate([dst, loop])
    deg = jnp.zeros((n,), dtype=h.dtype).at[dst].add(1.0)
    dinv = jnp.where(deg > 0, jax.lax.rsqrt(deg), 0.0)
    norm = dinv[src] * dinv[dst]
    msg = h[src] * norm[:, None]
    out = jnp.zeros_like(h).at[dst].add(msg)
    return out + b


def reference(x, edge_index, w1, b1):
    # GCNClient forward with cut='c1': conv1 -> relu -> dropout (identity in eval mode)
    h = gcn_conv(x, edge_index, w1, b1)
    h = jax.nn.relu(h)
    return h

if __name__ == "__main__":
    import jax
    _d = setup_inputs()
    print(jax.jit(kernel)(*tuple(_d.values())))

</pallas_src>

<mosaic_0001>
#map = affine_map<(d0, d1) -> (0)>
#map1 = affine_map<(d0, d1) -> (0, 0)>
#map2 = affine_map<(d0, d1) -> (0, 0, 0)>
module attributes {stable_mosaic.version = 14 : i64} {
  func.func @_agg_pass(%arg0: i32, %arg1: i32, %arg2: memref<327680xi32, #tpu.memory_space<hbm>>, %arg3: memref<327680xi32, #tpu.memory_space<hbm>>, %arg4: memref<10000x128xf32, #tpu.memory_space<hbm>>, %arg5: memref<1000x128xf32, #tpu.memory_space<hbm>>, %arg6: memref<2x10000x128xf32, #tpu.memory_space<hbm>>, %arg7: memref<3x128xi32, #tpu.memory_space<vmem>>, %arg8: memref<3x128xi32, #tpu.memory_space<vmem>>, %arg9: memref<3x128x128xf32, #tpu.memory_space<vmem>>, %arg10: memref<10008x128xf32, #tpu.memory_space<vmem_shared>>, %arg11: memref<!tpu.dma_semaphore, #tpu.memory_space<semaphore_mem>>, %arg12: memref<!tpu.dma_semaphore, #tpu.memory_space<semaphore_mem>>, %arg13: memref<!tpu.dma_semaphore, #tpu.memory_space<semaphore_mem>>, %arg14: memref<!tpu.dma_semaphore, #tpu.memory_space<semaphore_mem>>, %arg15: memref<!tpu.dma_semaphore, #tpu.memory_space<semaphore_mem>>, %arg16: memref<!tpu.dma_semaphore, #tpu.memory_space<semaphore_mem>>) attributes {dimension_semantics = [#tpu.dimension_semantics<core_parallel>, #tpu.dimension_semantics<subcore_parallel>], iteration_bounds = array<i64: 2, 16>, scalar_prefetch = 0 : i64, scratch_operands = 10 : i64, tpu.core_type = #tpu.core_type<sc_vector_subcore>, window_params = [{transform_indices = #map}, {transform_indices = #map}, {transform_indices = #map1}, {transform_indices = #map1}, {transform_indices = #map2}]} {
    %mul3A = arith.constant 16 : i32
    %mul3A_0 = arith.muli %arg0, %mul3A : i32
    %add3A = arith.addi %mul3A_0, %arg1 : i32
    %mul3A_1 = arith.constant 10240 : i32
    %mul3A_2 = arith.muli %add3A, %mul3A_1 : i32
    %lt3A = arith.constant 10 : i32
    %lt3A_3 = arith.cmpi slt, %arg1, %lt3A : i32
    %convert_element_type3A = arith.extui %lt3A_3 : i1 to i32
    %cond3A = arith.constant 0 : i32
    %cond3A_4 = arith.cmpi ne, %convert_element_type3A, %cond3A : i32
    scf.if %cond3A_4 {
      %mul3A_77 = arith.constant 1000 : i32
      %mul3A_78 = arith.muli %arg1, %mul3A_77 : i32
      "tpu.region"() ({
        %run_scoped3A_79 = tpu.sem_alloc : memref<!tpu.dma_semaphore, #tpu.memory_space<semaphore_mem>>
        %dma_start3A_80 = arith.constant 0 : i32
        %dma_start3A_81 = tpu.memref_slice %arg10[%mul3A_78, %dma_start3A_80] : memref<10008x128xf32, #tpu.memory_space<vmem_shared>> -> memref<1000x128xf32, #tpu.memory_space<vmem_shared>>
        tpu.enqueue_dma source(%arg5 : memref<1000x128xf32, #tpu.memory_space<hbm>>) target(%dma_start3A_81 : memref<1000x128xf32, #tpu.memory_space<vmem_shared>>) target_semaphore(%run_scoped3A_79 : memref<!tpu.dma_semaphore, #tpu.memory_space<semaphore_mem>>)
        %dma_wait3A_82 = arith.constant 0 : i32
        %dma_wait3A_83 = tpu.memref_slice %arg10[%mul3A_78, %dma_wait3A_82] : memref<10008x128xf32, #tpu.memory_space<vmem_shared>> -> memref<1000x128xf32, #tpu.memory_space<vmem_shared>>
        tpu.wait_dma2 semaphore(%run_scoped3A_79 : memref<!tpu.dma_semaphore, #tpu.memory_space<semaphore_mem>>) src(%arg5 : memref<1000x128xf32, #tpu.memory_space<hbm>>) dst(%dma_wait3A_83 : memref<1000x128xf32, #tpu.memory_space<vmem_shared>>)
        tpu.yield
      }) : () -> ()
    } else {
    }
    %barrier3A = arith.constant 0 : index
    tpu.barrier barrier_id(%barrier3A)
    %add3A_5 = arith.constant 0 : i32
    %add3A_6 = arith.addi %mul3A_2, %add3A_5 : i32
    %run_scoped3A = arith.constant 0 : i32
    "tpu.region"() ({
      %run_scoped3A_77 = tpu.sem_alloc : memref<!tpu.dma_semaphore, #tpu.memory_space<semaphore_mem>>
      %dma_start3A_78 = arith.constant 0 : i32
      %dma_start3A_79 = tpu.memref_slice %arg7[%run_scoped3A, %dma_start3A_78] : memref<3x128xi32, #tpu.memory_space<vmem>> -> memref<1x128xi32, #tpu.memory_space<vmem>>
      %dma_start3A_80 = tpu.memref_squeeze %dma_start3A_79 : memref<1x128xi32, #tpu.memory_space<vmem>> -> memref<128xi32, #tpu.memory_space<vmem>>
      %dma_start3A_81 = tpu.memref_slice %arg2[%add3A_6] : memref<327680xi32, #tpu.memory_space<hbm>> -> memref<128xi32, #tpu.memory_space<hbm>>
      %dma_start3A_82 = arith.constant 0 : i32
      %dma_start3A_83 = tpu.memref_slice %arg7[%run_scoped3A, %dma_start3A_82] : memref<3x128xi32, #tpu.memory_space<vmem>> -> memref<1x128xi32, #tpu.memory_space<vmem>>
      %dma_start3A_84 = tpu.memref_squeeze %dma_start3A_83 : memref<1x128xi32, #tpu.memory_space<vmem>> -> memref<128xi32, #tpu.memory_space<vmem>>
      %dma_start3A_85 = tpu.memref_slice %arg2[%add3A_6] : memref<327680xi32, #tpu.memory_space<hbm>> -> memref<128xi32, #tpu.memory_space<hbm>>
      tpu.enqueue_dma source(%dma_start3A_85 : memref<128xi32, #tpu.memory_space<hbm>>) target(%dma_start3A_84 : memref<128xi32, #tpu.memory_space<vmem>>) target_semaphore(%run_scoped3A_77 : memref<!tpu.dma_semaphore, #tpu.memory_space<semaphore_mem>>)
      %dma_wait3A_86 = arith.constant 0 : i32
      %dma_wait3A_87 = tpu.memref_slice %arg7[%run_scoped3A, %dma_wait3A_86] : memref<3x128xi32, #tpu.memory_space<vmem>> -> memref<1x128xi32, #tpu.memory_space<vmem>>
      %dma_wait3A_88 = tpu.memref_squeeze %dma_wait3A_87 : memref<1x128xi32, #tpu.memory_space<vmem>> -> memref<128xi32, #tpu.memory_space<vmem>>
      %dma_wait3A_89 = tpu.memref_slice %arg2[%add3A_6] : memref<327680xi32, #tpu.memory_space<hbm>> -> memref<128xi32, #tpu.memory_space<hbm>>
      %dma_wait3A_90 = arith.constant 0 : i32
      %dma_wait3A_91 = tpu.memref_slice %arg7[%run_scoped3A, %dma_wait3A_90] : memref<3x128xi32, #tpu.memory_space<vmem>> -> memref<1x128xi32, #tpu.memory_space<vmem>>
      %dma_wait3A_92 = tpu.memref_squeeze %dma_wait3A_91 : memref<1x128xi32, #tpu.memory_space<vmem>> -> memref<128xi32, #tpu.memory_space<vmem>>
      %dma_wait3A_93 = tpu.memref_slice %arg2[%add3A_6] : memref<327680xi32, #tpu.memory_space<hbm>> -> memref<128xi32, #tpu.memory_space<hbm>>
      tpu.wait_dma2 semaphore(%run_scoped3A_77 : memref<!tpu.dma_semaphore, #tpu.memory_space<semaphore_mem>>) src(%dma_wait3A_93 : memref<128xi32, #tpu.memory_space<hbm>>) dst(%dma_wait3A_92 : memref<128xi32, #tpu.memory_space<vmem>>)
      tpu.yield
    }) : () -> ()
    %add3A_7 = arith.constant 0 : i32
    %add3A_8 = arith.addi %mul3A_2, %add3A_7 : i32
    %run_scoped3A_9 = arith.constant 0 : i32
    "tpu.region"() ({
      %run_scoped3A_77 = tpu.sem_alloc : memref<!tpu.dma_semaphore, #tpu.memory_space<semaphore_mem>>
      %dma_start3A_78 = arith.constant 0 : i32
      %dma_start3A_79 = tpu.memref_slice %arg8[%run_scoped3A_9, %dma_start3A_78] : memref<3x128xi32, #tpu.memory_space<vmem>> -> memref<1x128xi32, #tpu.memory_space<vmem>>
      %dma_start3A_80 = tpu.memref_squeeze %dma_start3A_79 : memref<1x128xi32, #tpu.memory_space<vmem>> -> memref<128xi32, #tpu.memory_space<vmem>>
      %dma_start3A_81 = tpu.memref_slice %arg3[%add3A_8] : memref<327680xi32, #tpu.memory_space<hbm>> -> memref<128xi32, #tpu.memory_space<hbm>>
      %dma_start3A_82 = arith.constant 0 : i32
      %dma_start3A_83 = tpu.memref_slice %arg8[%run_scoped3A_9, %dma_start3A_82] : memref<3x128xi32, #tpu.memory_space<vmem>> -> memref<1x128xi32, #tpu.memory_space<vmem>>
      %dma_start3A_84 = tpu.memref_squeeze %dma_start3A_83 : memref<1x128xi32, #tpu.memory_space<vmem>> -> memref<128xi32, #tpu.memory_space<vmem>>
      %dma_start3A_85 = tpu.memref_slice %arg3[%add3A_8] : memref<327680xi32, #tpu.memory_space<hbm>> -> memref<128xi32, #tpu.memory_space<hbm>>
      tpu.enqueue_dma source(%dma_start3A_85 : memref<128xi32, #tpu.memory_space<hbm>>) target(%dma_start3A_84 : memref<128xi32, #tpu.memory_space<vmem>>) target_semaphore(%run_scoped3A_77 : memref<!tpu.dma_semaphore, #tpu.memory_space<semaphore_mem>>)
      %dma_wait3A_86 = arith.constant 0 : i32
      %dma_wait3A_87 = tpu.memref_slice %arg8[%run_scoped3A_9, %dma_wait3A_86] : memref<3x128xi32, #tpu.memory_space<vmem>> -> memref<1x128xi32, #tpu.memory_space<vmem>>
      %dma_wait3A_88 = tpu.memref_squeeze %dma_wait3A_87 : memref<1x128xi32, #tpu.memory_space<vmem>> -> memref<128xi32, #tpu.memory_space<vmem>>
      %dma_wait3A_89 = tpu.memref_slice %arg3[%add3A_8] : memref<327680xi32, #tpu.memory_space<hbm>> -> memref<128xi32, #tpu.memory_space<hbm>>
      %dma_wait3A_90 = arith.constant 0 : i32
      %dma_wait3A_91 = tpu.memref_slice %arg8[%run_scoped3A_9, %dma_wait3A_90] : memref<3x128xi32, #tpu.memory_space<vmem>> -> memref<1x128xi32, #tpu.memory_space<vmem>>
      %dma_wait3A_92 = tpu.memref_squeeze %dma_wait3A_91 : memref<1x128xi32, #tpu.memory_space<vmem>> -> memref<128xi32, #tpu.memory_space<vmem>>
      %dma_wait3A_93 = tpu.memref_slice %arg3[%add3A_8] : memref<327680xi32, #tpu.memory_space<hbm>> -> memref<128xi32, #tpu.memory_space<hbm>>
      tpu.wait_dma2 semaphore(%run_scoped3A_77 : memref<!tpu.dma_semaphore, #tpu.memory_space<semaphore_mem>>) src(%dma_wait3A_93 : memref<128xi32, #tpu.memory_space<hbm>>) dst(%dma_wait3A_92 : memref<128xi32, #tpu.memory_space<vmem>>)
      tpu.yield
    }) : () -> ()
    %dma_start3A = arith.constant 0 : i32
    %dma_start3A_10 = arith.constant 0 : i32
    %dma_start3A_11 = arith.constant 0 : i32
    %dma_start3A_12 = arith.constant 0 : i32
    %dma_start3A_13 = tpu.memref_slice %arg9[%dma_start3A_10, %dma_start3A_11, %dma_start3A_12] : memref<3x128x128xf32, #tpu.memory_space<vmem>> -> memref<1x128x128xf32, #tpu.memory_space<vmem>>
    %dma_start3A_14 = tpu.memref_squeeze %dma_start3A_13 : memref<1x128x128xf32, #tpu.memory_space<vmem>> -> memref<128x128xf32, #tpu.memory_space<vmem>>
    %dma_start3A_15 = arith.constant 0 : i32
    %dma_start3A_16 = tpu.memref_slice %arg7[%dma_start3A, %dma_start3A_15] : memref<3x128xi32, #tpu.memory_space<vmem>> -> memref<1x128xi32, #tpu.memory_space<vmem>>
    %dma_start3A_17 = tpu.memref_squeeze %dma_start3A_16 : memref<1x128xi32, #tpu.memory_space<vmem>> -> memref<128xi32, #tpu.memory_space<vmem>>
    %dma_start3A_18 = arith.constant 0 : i32
    %dma_start3A_19 = arith.constant 0 : i32
    %dma_start3A_20 = tpu.memref_slice %arg4[%dma_start3A_18, %dma_start3A_19] : memref<10000x128xf32, #tpu.memory_space<hbm>> -> memref<10000x128xf32, #tpu.memory_space<hbm>>
    tpu.enqueue_indirect_dma source(%dma_start3A_20 : memref<10000x128xf32, #tpu.memory_space<hbm>>) target(%dma_start3A_14 : memref<128x128xf32, #tpu.memory_space<vmem>>) offsets(%dma_start3A_17 : memref<128xi32, #tpu.memory_space<vmem>>) semaphore(%arg11 : memref<!tpu.dma_semaphore, #tpu.memory_space<semaphore_mem>>)
    %add3A_21 = arith.constant 128 : i32
    %add3A_22 = arith.addi %mul3A_2, %add3A_21 : i32
    %run_scoped3A_23 = arith.constant 1 : i32
    "tpu.region"() ({
      %run_scoped3A_77 = tpu.sem_alloc : memref<!tpu.dma_semaphore, #tpu.memory_space<semaphore_mem>>
      %dma_start3A_78 = arith.constant 0 : i32
      %dma_start3A_79 = tpu.memref_slice %arg7[%run_scoped3A_23, %dma_start3A_78] : memref<3x128xi32, #tpu.memory_space<vmem>> -> memref<1x128xi32, #tpu.memory_space<vmem>>
      %dma_start3A_80 = tpu.memref_squeeze %dma_start3A_79 : memref<1x128xi32, #tpu.memory_space<vmem>> -> memref<128xi32, #tpu.memory_space<vmem>>
      %dma_start3A_81 = tpu.memref_slice %arg2[%add3A_22] : memref<327680xi32, #tpu.memory_space<hbm>> -> memref<128xi32, #tpu.memory_space<hbm>>
      %dma_start3A_82 = arith.constant 0 : i32
      %dma_start3A_83 = tpu.memref_slice %arg7[%run_scoped3A_23, %dma_start3A_82] : memref<3x128xi32, #tpu.memory_space<vmem>> -> memref<1x128xi32, #tpu.memory_space<vmem>>
      %dma_start3A_84 = tpu.memref_squeeze %dma_start3A_83 : memref<1x128xi32, #tpu.memory_space<vmem>> -> memref<128xi32, #tpu.memory_space<vmem>>
      %dma_start3A_85 = tpu.memref_slice %arg2[%add3A_22] : memref<327680xi32, #tpu.memory_space<hbm>> -> memref<128xi32, #tpu.memory_space<hbm>>
      tpu.enqueue_dma source(%dma_start3A_85 : memref<128xi32, #tpu.memory_space<hbm>>) target(%dma_start3A_84 : memref<128xi32, #tpu.memory_space<vmem>>) target_semaphore(%run_scoped3A_77 : memref<!tpu.dma_semaphore, #tpu.memory_space<semaphore_mem>>)
      %dma_wait3A_86 = arith.constant 0 : i32
      %dma_wait3A_87 = tpu.memref_slice %arg7[%run_scoped3A_23, %dma_wait3A_86] : memref<3x128xi32, #tpu.memory_space<vmem>> -> memref<1x128xi32, #tpu.memory_space<vmem>>
      %dma_wait3A_88 = tpu.memref_squeeze %dma_wait3A_87 : memref<1x128xi32, #tpu.memory_space<vmem>> -> memref<128xi32, #tpu.memory_space<vmem>>
      %dma_wait3A_89 = tpu.memref_slice %arg2[%add3A_22] : memref<327680xi32, #tpu.memory_space<hbm>> -> memref<128xi32, #tpu.memory_space<hbm>>
      %dma_wait3A_90 = arith.constant 0 : i32
      %dma_wait3A_91 = tpu.memref_slice %arg7[%run_scoped3A_23, %dma_wait3A_90] : memref<3x128xi32, #tpu.memory_space<vmem>> -> memref<1x128xi32, #tpu.memory_space<vmem>>
      %dma_wait3A_92 = tpu.memref_squeeze %dma_wait3A_91 : memref<1x128xi32, #tpu.memory_space<vmem>> -> memref<128xi32, #tpu.memory_space<vmem>>
      %dma_wait3A_93 = tpu.memref_slice %arg2[%add3A_22] : memref<327680xi32, #tpu.memory_space<hbm>> -> memref<128xi32, #tpu.memory_space<hbm>>
      tpu.wait_dma2 semaphore(%run_scoped3A_77 : memref<!tpu.dma_semaphore, #tpu.memory_space<semaphore_mem>>) src(%dma_wait3A_93 : memref<128xi32, #tpu.memory_space<hbm>>) dst(%dma_wait3A_92 : memref<128xi32, #tpu.memory_space<vmem>>)
      tpu.yield
    }) : () -> ()
    %add3A_24 = arith.constant 128 : i32
    %add3A_25 = arith.addi %mul3A_2, %add3A_24 : i32
    %run_scoped3A_26 = arith.constant 1 : i32
    "tpu.region"() ({
      %run_scoped3A_77 = tpu.sem_alloc : memref<!tpu.dma_semaphore, #tpu.memory_space<semaphore_mem>>
      %dma_start3A_78 = arith.constant 0 : i32
      %dma_start3A_79 = tpu.memref_slice %arg8[%run_scoped3A_26, %dma_start3A_78] : memref<3x128xi32, #tpu.memory_space<vmem>> -> memref<1x128xi32, #tpu.memory_space<vmem>>
      %dma_start3A_80 = tpu.memref_squeeze %dma_start3A_79 : memref<1x128xi32, #tpu.memory_space<vmem>> -> memref<128xi32, #tpu.memory_space<vmem>>
      %dma_start3A_81 = tpu.memref_slice %arg3[%add3A_25] : memref<327680xi32, #tpu.memory_space<hbm>> -> memref<128xi32, #tpu.memory_space<hbm>>
      %dma_start3A_82 = arith.constant 0 : i32
      %dma_start3A_83 = tpu.memref_slice %arg8[%run_scoped3A_26, %dma_start3A_82] : memref<3x128xi32, #tpu.memory_space<vmem>> -> memref<1x128xi32, #tpu.memory_space<vmem>>
      %dma_start3A_84 = tpu.memref_squeeze %dma_start3A_83 : memref<1x128xi32, #tpu.memory_space<vmem>> -> memref<128xi32, #tpu.memory_space<vmem>>
      %dma_start3A_85 = tpu.memref_slice %arg3[%add3A_25] : memref<327680xi32, #tpu.memory_space<hbm>> -> memref<128xi32, #tpu.memory_space<hbm>>
      tpu.enqueue_dma source(%dma_start3A_85 : memref<128xi32, #tpu.memory_space<hbm>>) target(%dma_start3A_84 : memref<128xi32, #tpu.memory_space<vmem>>) target_semaphore(%run_scoped3A_77 : memref<!tpu.dma_semaphore, #tpu.memory_space<semaphore_mem>>)
      %dma_wait3A_86 = arith.constant 0 : i32
      %dma_wait3A_87 = tpu.memref_slice %arg8[%run_scoped3A_26, %dma_wait3A_86] : memref<3x128xi32, #tpu.memory_space<vmem>> -> memref<1x128xi32, #tpu.memory_space<vmem>>
      %dma_wait3A_88 = tpu.memref_squeeze %dma_wait3A_87 : memref<1x128xi32, #tpu.memory_space<vmem>> -> memref<128xi32, #tpu.memory_space<vmem>>
      %dma_wait3A_89 = tpu.memref_slice %arg3[%add3A_25] : memref<327680xi32, #tpu.memory_space<hbm>> -> memref<128xi32, #tpu.memory_space<hbm>>
      %dma_wait3A_90 = arith.constant 0 : i32
      %dma_wait3A_91 = tpu.memref_slice %arg8[%run_scoped3A_26, %dma_wait3A_90] : memref<3x128xi32, #tpu.memory_space<vmem>> -> memref<1x128xi32, #tpu.memory_space<vmem>>
      %dma_wait3A_92 = tpu.memref_squeeze %dma_wait3A_91 : memref<1x128xi32, #tpu.memory_space<vmem>> -> memref<128xi32, #tpu.memory_space<vmem>>
      %dma_wait3A_93 = tpu.memref_slice %arg3[%add3A_25] : memref<327680xi32, #tpu.memory_space<hbm>> -> memref<128xi32, #tpu.memory_space<hbm>>
      tpu.wait_dma2 semaphore(%run_scoped3A_77 : memref<!tpu.dma_semaphore, #tpu.memory_space<semaphore_mem>>) src(%dma_wait3A_93 : memref<128xi32, #tpu.memory_space<hbm>>) dst(%dma_wait3A_92 : memref<128xi32, #tpu.memory_space<vmem>>)
      tpu.yield
    }) : () -> ()
    %dma_start3A_27 = arith.constant 1 : i32
    %dma_start3A_28 = arith.constant 1 : i32
    %dma_start3A_29 = arith.constant 0 : i32
    %dma_start3A_30 = arith.constant 0 : i32
    %dma_start3A_31 = tpu.memref_slice %arg9[%dma_start3A_28, %dma_start3A_29, %dma_start3A_30] : memref<3x128x128xf32, #tpu.memory_space<vmem>> -> memref<1x128x128xf32, #tpu.memory_space<vmem>>
    %dma_start3A_32 = tpu.memref_squeeze %dma_start3A_31 : memref<1x128x128xf32, #tpu.memory_space<vmem>> -> memref<128x128xf32, #tpu.memory_space<vmem>>
    %dma_start3A_33 = arith.constant 0 : i32
    %dma_start3A_34 = tpu.memref_slice %arg7[%dma_start3A_27, %dma_start3A_33] : memref<3x128xi32, #tpu.memory_space<vmem>> -> memref<1x128xi32, #tpu.memory_space<vmem>>
    %dma_start3A_35 = tpu.memref_squeeze %dma_start3A_34 : memref<1x128xi32, #tpu.memory_space<vmem>> -> memref<128xi32, #tpu.memory_space<vmem>>
    %dma_start3A_36 = arith.constant 0 : i32
    %dma_start3A_37 = arith.constant 0 : i32
    %dma_start3A_38 = tpu.memref_slice %arg4[%dma_start3A_36, %dma_start3A_37] : memref<10000x128xf32, #tpu.memory_space<hbm>> -> memref<10000x128xf32, #tpu.memory_space<hbm>>
    tpu.enqueue_indirect_dma source(%dma_start3A_38 : memref<10000x128xf32, #tpu.memory_space<hbm>>) target(%dma_start3A_32 : memref<128x128xf32, #tpu.memory_space<vmem>>) offsets(%dma_start3A_35 : memref<128xi32, #tpu.memory_space<vmem>>) semaphore(%arg12 : memref<!tpu.dma_semaphore, #tpu.memory_space<semaphore_mem>>)
    %scan3A = arith.constant 0 : i32
    %scan3A_39 = arith.constant 0 : i32
    %scan3A_40 = arith.constant 26 : i32
    %scan3A_41 = arith.addi %scan3A_39, %scan3A_40 : i32
    %scan3A_42 = arith.constant 1 : i32
    scf.for %scan3A_77 = %scan3A_39 to %scan3A_41 step %scan3A_42  : i32 {
      %mul3A_78 = arith.constant 3 : i32
      %mul3A_79 = arith.muli %scan3A_77, %mul3A_78 : i32
      %add3A_80 = arith.constant 0 : i32
      %add3A_81 = arith.addi %mul3A_79, %add3A_80 : i32
      %dma_wait3A_82 = arith.constant 0 : i32
      %dma_wait3A_83 = arith.constant 0 : i32
      %dma_wait3A_84 = arith.constant 0 : i32
      %dma_wait3A_85 = arith.constant 0 : i32
      %dma_wait3A_86 = tpu.memref_slice %arg9[%dma_wait3A_83, %dma_wait3A_84, %dma_wait3A_85] : memref<3x128x128xf32, #tpu.memory_space<vmem>> -> memref<1x128x128xf32, #tpu.memory_space<vmem>>
      %dma_wait3A_87 = tpu.memref_squeeze %dma_wait3A_86 : memref<1x128x128xf32, #tpu.memory_space<vmem>> -> memref<128x128xf32, #tpu.memory_space<vmem>>
      %dma_wait3A_88 = arith.constant 0 : i32
      %dma_wait3A_89 = tpu.memref_slice %arg7[%dma_wait3A_82, %dma_wait3A_88] : memref<3x128xi32, #tpu.memory_space<vmem>> -> memref<1x128xi32, #tpu.memory_space<vmem>>
      %dma_wait3A_90 = tpu.memref_squeeze %dma_wait3A_89 : memref<1x128xi32, #tpu.memory_space<vmem>> -> memref<128xi32, #tpu.memory_space<vmem>>
      %dma_wait3A_91 = arith.constant 0 : i32
      %dma_wait3A_92 = arith.constant 0 : i32
      %dma_wait3A_93 = tpu.memref_slice %arg4[%dma_wait3A_91, %dma_wait3A_92] : memref<10000x128xf32, #tpu.memory_space<hbm>> -> memref<10000x128xf32, #tpu.memory_space<hbm>>
      tpu.wait_indirect_dma semaphore(%arg11 : memref<!tpu.dma_semaphore, #tpu.memory_space<semaphore_mem>>) src(%dma_wait3A_93 : memref<10000x128xf32, #tpu.memory_space<hbm>>) dst(%dma_wait3A_87 : memref<128x128xf32, #tpu.memory_space<vmem>>)
      %add3A_94 = arith.constant 2 : i32
      %add3A_95 = arith.addi %add3A_81, %add3A_94 : i32
      %mul3A_96 = arith.constant 128 : i32
      %mul3A_97 = arith.muli %add3A_95, %mul3A_96 : i32
      %add3A_98 = arith.addi %mul3A_2, %mul3A_97 : i32
      %dma_start3A_99 = arith.constant 2 : i32
      %dma_start3A_100 = arith.constant 0 : i32
      %dma_start3A_101 = tpu.memref_slice %arg7[%dma_start3A_99, %dma_start3A_100] : memref<3x128xi32, #tpu.memory_space<vmem>> -> memref<1x128xi32, #tpu.memory_space<vmem>>
      %dma_start3A_102 = tpu.memref_squeeze %dma_start3A_101 : memref<1x128xi32, #tpu.memory_space<vmem>> -> memref<128xi32, #tpu.memory_space<vmem>>
      %dma_start3A_103 = tpu.memref_slice %arg2[%add3A_98] : memref<327680xi32, #tpu.memory_space<hbm>> -> memref<128xi32, #tpu.memory_space<hbm>>
      %dma_start3A_104 = arith.constant 0 : i32
      %dma_start3A_105 = tpu.memref_slice %arg7[%dma_start3A_99, %dma_start3A_104] : memref<3x128xi32, #tpu.memory_space<vmem>> -> memref<1x128xi32, #tpu.memory_space<vmem>>
      %dma_start3A_106 = tpu.memref_squeeze %dma_start3A_105 : memref<1x128xi32, #tpu.memory_space<vmem>> -> memref<128xi32, #tpu.memory_space<vmem>>
      %dma_start3A_107 = tpu.memref_slice %arg2[%add3A_98] : memref<327680xi32, #tpu.memory_space<hbm>> -> memref<128xi32, #tpu.memory_space<hbm>>
      tpu.enqueue_dma source(%dma_start3A_107 : memref<128xi32, #tpu.memory_space<hbm>>) target(%dma_start3A_106 : memref<128xi32, #tpu.memory_space<vmem>>) target_semaphore(%arg16 : memref<!tpu.dma_semaphore, #tpu.memory_space<semaphore_mem>>)
      %add3A_108 = arith.constant 2 : i32
      %add3A_109 = arith.addi %add3A_81, %add3A_108 : i32
      %mul3A_110 = arith.constant 128 : i32
      %mul3A_111 = arith.muli %add3A_109, %mul3A_110 : i32
      %add3A_112 = arith.addi %mul3A_2, %mul3A_111 : i32
      %dma_start3A_113 = arith.constant 2 : i32
      %dma_start3A_114 = arith.constant 0 : i32
      %dma_start3A_115 = tpu.memref_slice %arg8[%dma_start3A_113, %dma_start3A_114] : memref<3x128xi32, #tpu.memory_space<vmem>> -> memref<1x128xi32, #tpu.memory_space<vmem>>
      %dma_start3A_116 = tpu.memref_squeeze %dma_start3A_115 : memref<1x128xi32, #tpu.memory_space<vmem>> -> memref<128xi32, #tpu.memory_space<vmem>>
      %dma_start3A_117 = tpu.memref_slice %arg3[%add3A_112] : memref<327680xi32, #tpu.memory_space<hbm>> -> memref<128xi32, #tpu.memory_space<hbm>>
      %dma_start3A_118 = arith.constant 0 : i32
      %dma_start3A_119 = tpu.memref_slice %arg8[%dma_start3A_113, %dma_start3A_118] : memref<3x128xi32, #tpu.memory_space<vmem>> -> memref<1x128xi32, #tpu.memory_space<vmem>>
      %dma_start3A_120 = tpu.memref_squeeze %dma_start3A_119 : memref<1x128xi32, #tpu.memory_space<vmem>> -> memref<128xi32, #tpu.memory_space<vmem>>
      %dma_start3A_121 = tpu.memref_slice %arg3[%add3A_112] : memref<327680xi32, #tpu.memory_space<hbm>> -> memref<128xi32, #tpu.memory_space<hbm>>
      tpu.enqueue_dma source(%dma_start3A_121 : memref<128xi32, #tpu.memory_space<hbm>>) target(%dma_start3A_120 : memref<128xi32, #tpu.memory_space<vmem>>) target_semaphore(%arg16 : memref<!tpu.dma_semaphore, #tpu.memory_space<semaphore_mem>>)
      %run_scoped3A_122 = arith.constant 0 : i32
      %run_scoped3A_123 = arith.constant 0 : i32
      "tpu.region"() ({
        %run_scoped3A_306 = tpu.sem_alloc : memref<!tpu.dma_semaphore, #tpu.memory_space<semaphore_mem>>
        %dma_start3A_307 = arith.constant 0 : i32
        %dma_start3A_308 = arith.constant 0 : i32
        %dma_start3A_309 = tpu.memref_slice %arg9[%run_scoped3A_122, %dma_start3A_307, %dma_start3A_308] : memref<3x128x128xf32, #tpu.memory_space<vmem>> -> memref<1x128x128xf32, #tpu.memory_space<vmem>>
        %dma_start3A_310 = tpu.memref_squeeze %dma_start3A_309 : memref<1x128x128xf32, #tpu.memory_space<vmem>> -> memref<128x128xf32, #tpu.memory_space<vmem>>
        %dma_start3A_311 = arith.constant 0 : i32
        %dma_start3A_312 = tpu.memref_slice %arg8[%run_scoped3A_123, %dma_start3A_311] : memref<3x128xi32, #tpu.memory_space<vmem>> -> memref<1x128xi32, #tpu.memory_space<vmem>>
        %dma_start3A_313 = tpu.memref_squeeze %dma_start3A_312 : memref<1x128xi32, #tpu.memory_space<vmem>> -> memref<128xi32, #tpu.memory_space<vmem>>
        %dma_start3A_314 = arith.constant 0 : i32
        %dma_start3A_315 = arith.constant 0 : i32
        %dma_start3A_316 = tpu.memref_slice %arg10[%dma_start3A_314, %dma_start3A_315] : memref<10008x128xf32, #tpu.memory_space<vmem_shared>> -> memref<10008x128xf32, #tpu.memory_space<vmem_shared>>
        tpu.enqueue_indirect_dma source(%dma_start3A_310 : memref<128x128xf32, #tpu.memory_space<vmem>>) target(%dma_start3A_316 : memref<10008x128xf32, #tpu.memory_space<vmem_shared>>) offsets(%dma_start3A_313 : memref<128xi32, #tpu.memory_space<vmem>>) semaphore(%run_scoped3A_306 : memref<!tpu.dma_semaphore, #tpu.memory_space<semaphore_mem>>) {add = true}
        %dma_wait3A_317 = arith.constant 0 : i32
        %dma_wait3A_318 = arith.constant 0 : i32
        %dma_wait3A_319 = tpu.memref_slice %arg9[%run_scoped3A_122, %dma_wait3A_317, %dma_wait3A_318] : memref<3x128x128xf32, #tpu.memory_space<vmem>> -> memref<1x128x128xf32, #tpu.memory_space<vmem>>
        %dma_wait3A_320 = tpu.memref_squeeze %dma_wait3A_319 : memref<1x128x128xf32, #tpu.memory_space<vmem>> -> memref<128x128xf32, #tpu.memory_space<vmem>>
        %dma_wait3A_321 = arith.constant 0 : i32
        %dma_wait3A_322 = tpu.memref_slice %arg8[%run_scoped3A_123, %dma_wait3A_321] : memref<3x128xi32, #tpu.memory_space<vmem>> -> memref<1x128xi32, #tpu.memory_space<vmem>>
        %dma_wait3A_323 = tpu.memref_squeeze %dma_wait3A_322 : memref<1x128xi32, #tpu.memory_space<vmem>> -> memref<128xi32, #tpu.memory_space<vmem>>
        %dma_wait3A_324 = arith.constant 0 : i32
        %dma_wait3A_325 = arith.constant 0 : i32
        %dma_wait3A_326 = tpu.memref_slice %arg10[%dma_wait3A_324, %dma_wait3A_325] : memref<10008x128xf32, #tpu.memory_space<vmem_shared>> -> memref<10008x128xf32, #tpu.memory_space<vmem_shared>>
        tpu.wait_indirect_dma semaphore(%run_scoped3A_306 : memref<!tpu.dma_semaphore, #tpu.memory_space<semaphore_mem>>) src(%dma_wait3A_320 : memref<128x128xf32, #tpu.memory_space<vmem>>) dst(%dma_wait3A_326 : memref<10008x128xf32, #tpu.memory_space<vmem_shared>>)
        tpu.yield
      }) : () -> ()
      %dma_wait3A_124 = arith.constant 2 : i32
      %dma_wait3A_125 = arith.constant 0 : i32
      %dma_wait3A_126 = tpu.memref_slice %arg7[%dma_wait3A_124, %dma_wait3A_125] : memref<3x128xi32, #tpu.memory_space<vmem>> -> memref<1x128xi32, #tpu.memory_space<vmem>>
      %dma_wait3A_127 = tpu.memref_squeeze %dma_wait3A_126 : memref<1x128xi32, #tpu.memory_space<vmem>> -> memref<128xi32, #tpu.memory_space<vmem>>
      %dma_wait3A_128 = tpu.memref_slice %arg2[%mul3A_2] : memref<327680xi32, #tpu.memory_space<hbm>> -> memref<128xi32, #tpu.memory_space<hbm>>
      %dma_wait3A_129 = arith.constant 0 : i32
      %dma_wait3A_130 = tpu.memref_slice %arg7[%dma_wait3A_124, %dma_wait3A_129] : memref<3x128xi32, #tpu.memory_space<vmem>> -> memref<1x128xi32, #tpu.memory_space<vmem>>
      %dma_wait3A_131 = tpu.memref_squeeze %dma_wait3A_130 : memref<1x128xi32, #tpu.memory_space<vmem>> -> memref<128xi32, #tpu.memory_space<vmem>>
      %dma_wait3A_132 = tpu.memref_slice %arg2[%mul3A_2] : memref<327680xi32, #tpu.memory_space<hbm>> -> memref<128xi32, #tpu.memory_space<hbm>>
      tpu.wait_dma2 semaphore(%arg16 : memref<!tpu.dma_semaphore, #tpu.memory_space<semaphore_mem>>) src(%dma_wait3A_132 : memref<128xi32, #tpu.memory_space<hbm>>) dst(%dma_wait3A_131 : memref<128xi32, #tpu.memory_space<vmem>>)
      %dma_wait3A_133 = arith.constant 2 : i32
      %dma_wait3A_134 = arith.constant 0 : i32
      %dma_wait3A_135 = tpu.memref_slice %arg8[%dma_wait3A_133, %dma_wait3A_134] : memref<3x128xi32, #tpu.memory_space<vmem>> -> memref<1x128xi32, #tpu.memory_space<vmem>>
      %dma_wait3A_136 = tpu.memref_squeeze %dma_wait3A_135 : memref<1x128xi32, #tpu.memory_space<vmem>> -> memref<128xi32, #tpu.memory_space<vmem>>
      %dma_wait3A_137 = tpu.memref_slice %arg3[%mul3A_2] : memref<327680xi32, #tpu.memory_space<hbm>> -> memref<128xi32, #tpu.memory_space<hbm>>
      %dma_wait3A_138 = arith.constant 0 : i32
      %dma_wait3A_139 = tpu.memref_slice %arg8[%dma_wait3A_133, %dma_wait3A_138] : memref<3x128xi32, #tpu.memory_space<vmem>> -> memref<1x128xi32, #tpu.memory_space<vmem>>
      %dma_wait3A_140 = tpu.memref_squeeze %dma_wait3A_139 : memref<1x128xi32, #tpu.memory_space<vmem>> -> memref<128xi32, #tpu.memory_space<vmem>>
      %dma_wait3A_141 = tpu.memref_slice %arg3[%mul3A_2] : memref<327680xi32, #tpu.memory_space<hbm>> -> memref<128xi32, #tpu.memory_space<hbm>>
      tpu.wait_dma2 semaphore(%arg16 : memref<!tpu.dma_semaphore, #tpu.memory_space<semaphore_mem>>) src(%dma_wait3A_141 : memref<128xi32, #tpu.memory_space<hbm>>) dst(%dma_wait3A_140 : memref<128xi32, #tpu.memory_space<vmem>>)
      %dma_start3A_142 = arith.constant 2 : i32
      %dma_start3A_143 = arith.constant 2 : i32
      %dma_start3A_144 = arith.constant 0 : i32
      %dma_start3A_145 = arith.constant 0 : i32
      %dma_start3A_146 = tpu.memref_slice %arg9[%dma_start3A_143, %dma_start3A_144, %dma_start3A_145] : memref<3x128x128xf32, #tpu.memory_space<vmem>> -> memref<1x128x128xf32, #tpu.memory_space<vmem>>
      %dma_start3A_147 = tpu.memref_squeeze %dma_start3A_146 : memref<1x128x128xf32, #tpu.memory_space<vmem>> -> memref<128x128xf32, #tpu.memory_space<vmem>>
      %dma_start3A_148 = arith.constant 0 : i32
      %dma_start3A_149 = tpu.memref_slice %arg7[%dma_start3A_142, %dma_start3A_148] : memref<3x128xi32, #tpu.memory_space<vmem>> -> memref<1x128xi32, #tpu.memory_space<vmem>>
      %dma_start3A_150 = tpu.memref_squeeze %dma_start3A_149 : memref<1x128xi32, #tpu.memory_space<vmem>> -> memref<128xi32, #tpu.memory_space<vmem>>
      %dma_start3A_151 = arith.constant 0 : i32
      %dma_start3A_152 = arith.constant 0 : i32
      %dma_start3A_153 = tpu.memref_slice %arg4[%dma_start3A_151, %dma_start3A_152] : memref<10000x128xf32, #tpu.memory_space<hbm>> -> memref<10000x128xf32, #tpu.memory_space<hbm>>
      tpu.enqueue_indirect_dma source(%dma_start3A_153 : memref<10000x128xf32, #tpu.memory_space<hbm>>) target(%dma_start3A_147 : memref<128x128xf32, #tpu.memory_space<vmem>>) offsets(%dma_start3A_150 : memref<128xi32, #tpu.memory_space<vmem>>) semaphore(%arg13 : memref<!tpu.dma_semaphore, #tpu.memory_space<semaphore_mem>>)
      %mul3A_154 = arith.constant 3 : i32
      %mul3A_155 = arith.muli %scan3A_77, %mul3A_154 : i32
      %add3A_156 = arith.constant 1 : i32
      %add3A_157 = arith.addi %mul3A_155, %add3A_156 : i32
      %dma_wait3A_158 = arith.constant 1 : i32
      %dma_wait3A_159 = arith.constant 1 : i32
      %dma_wait3A_160 = arith.constant 0 : i32
      %dma_wait3A_161 = arith.constant 0 : i32
      %dma_wait3A_162 = tpu.memref_slice %arg9[%dma_wait3A_159, %dma_wait3A_160, %dma_wait3A_161] : memref<3x128x128xf32, #tpu.memory_space<vmem>> -> memref<1x128x128xf32, #tpu.memory_space<vmem>>
      %dma_wait3A_163 = tpu.memref_squeeze %dma_wait3A_162 : memref<1x128x128xf32, #tpu.memory_space<vmem>> -> memref<128x128xf32, #tpu.memory_space<vmem>>
      %dma_wait3A_164 = arith.constant 0 : i32
      %dma_wait3A_165 = tpu.memref_slice %arg7[%dma_wait3A_158, %dma_wait3A_164] : memref<3x128xi32, #tpu.memory_space<vmem>> -> memref<1x128xi32, #tpu.memory_space<vmem>>
      %dma_wait3A_166 = tpu.memref_squeeze %dma_wait3A_165 : memref<1x128xi32, #tpu.memory_space<vmem>> -> memref<128xi32, #tpu.memory_space<vmem>>
      %dma_wait3A_167 = arith.constant 0 : i32
      %dma_wait3A_168 = arith.constant 0 : i32
      %dma_wait3A_169 = tpu.memref_slice %arg4[%dma_wait3A_167, %dma_wait3A_168] : memref<10000x128xf32, #tpu.memory_space<hbm>> -> memref<10000x128xf32, #tpu.memory_space<hbm>>
      tpu.wait_indirect_dma semaphore(%arg12 : memref<!tpu.dma_semaphore, #tpu.memory_space<semaphore_mem>>) src(%dma_wait3A_169 : memref<10000x128xf32, #tpu.memory_space<hbm>>) dst(%dma_wait3A_163 : memref<128x128xf32, #tpu.memory_space<vmem>>)
      %add3A_170 = arith.constant 2 : i32
      %add3A_171 = arith.addi %add3A_157, %add3A_170 : i32
      %mul3A_172 = arith.constant 128 : i32
      %mul3A_173 = arith.muli %add3A_171, %mul3A_172 : i32
      %add3A_174 = arith.addi %mul3A_2, %mul3A_173 : i32
      %dma_start3A_175 = arith.constant 0 : i32
      %dma_start3A_176 = arith.constant 0 : i32
      %dma_start3A_177 = tpu.memref_slice %arg7[%dma_start3A_175, %dma_start3A_176] : memref<3x128xi32, #tpu.memory_space<vmem>> -> memref<1x128xi32, #tpu.memory_space<vmem>>
      %dma_start3A_178 = tpu.memref_squeeze %dma_start3A_177 : memref<1x128xi32, #tpu.memory_space<vmem>> -> memref<128xi32, #tpu.memory_space<vmem>>
      %dma_start3A_179 = tpu.memref_slice %arg2[%add3A_174] : memref<327680xi32, #tpu.memory_space<hbm>> -> memref<128xi32, #tpu.memory_space<hbm>>
      %dma_start3A_180 = arith.constant 0 : i32
      %dma_start3A_181 = tpu.memref_slice %arg7[%dma_start3A_175, %dma_start3A_180] : memref<3x128xi32, #tpu.memory_space<vmem>> -> memref<1x128xi32, #tpu.memory_space<vmem>>
      %dma_start3A_182 = tpu.memref_squeeze %dma_start3A_181 : memref<1x128xi32, #tpu.memory_space<vmem>> -> memref<128xi32, #tpu.memory_space<vmem>>
      %dma_start3A_183 = tpu.memref_slice %arg2[%add3A_174] : memref<327680xi32, #tpu.memory_space<hbm>> -> memref<128xi32, #tpu.memory_space<hbm>>
      tpu.enqueue_dma source(%dma_start3A_183 : memref<128xi32, #tpu.memory_space<hbm>>) target(%dma_start3A_182 : memref<128xi32, #tpu.memory_space<vmem>>) target_semaphore(%arg14 : memref<!tpu.dma_semaphore, #tpu.memory_space<semaphore_mem>>)
      %add3A_184 = arith.constant 2 : i32
      %add3A_185 = arith.addi %add3A_157, %add3A_184 : i32
      %mul3A_186 = arith.constant 128 : i32
      %mul3A_187 = arith.muli %add3A_185, %mul3A_186 : i32
      %add3A_188 = arith.addi %mul3A_2, %mul3A_187 : i32
      %dma_start3A_189 = arith.constant 0 : i32
      %dma_start3A_190 = arith.constant 0 : i32
      %dma_start3A_191 = tpu.memref_slice %arg8[%dma_start3A_189, %dma_start3A_190] : memref<3x128xi32, #tpu.memory_space<vmem>> -> memref<1x128xi32, #tpu.memory_space<vmem>>
      %dma_start3A_192 = tpu.memref_squeeze %dma_start3A_191 : memref<1x128xi32, #tpu.memory_space<vmem>> -> memref<128xi32, #tpu.memory_space<vmem>>
      %dma_start3A_193 = tpu.memref_slice %arg3[%add3A_188] : memref<327680xi32, #tpu.memory_space<hbm>> -> memref<128xi32, #tpu.memory_space<hbm>>
      %dma_start3A_194 = arith.constant 0 : i32
      %dma_start3A_195 = tpu.memref_slice %arg8[%dma_start3A_189, %dma_start3A_194] : memref<3x128xi32, #tpu.memory_space<vmem>> -> memref<1x128xi32, #tpu.memory_space<vmem>>
      %dma_start3A_196 = tpu.memref_squeeze %dma_start3A_195 : memref<1x128xi32, #tpu.memory_space<vmem>> -> memref<128xi32, #tpu.memory_space<vmem>>
      %dma_start3A_197 = tpu.memref_slice %arg3[%add3A_188] : memref<327680xi32, #tpu.memory_space<hbm>> -> memref<128xi32, #tpu.memory_space<hbm>>
      tpu.enqueue_dma source(%dma_start3A_197 : memref<128xi32, #tpu.memory_space<hbm>>) target(%dma_start3A_196 : memref<128xi32, #tpu.memory_space<vmem>>) target_semaphore(%arg14 : memref<!tpu.dma_semaphore, #tpu.memory_space<semaphore_mem>>)
      %run_scoped3A_198 = arith.constant 1 : i32
      %run_scoped3A_199 = arith.constant 1 : i32
      "tpu.region"() ({
        %run_scoped3A_306 = tpu.sem_alloc : memref<!tpu.dma_semaphore, #tpu.memory_space<semaphore_mem>>
        %dma_start3A_307 = arith.constant 0 : i32
        %dma_start3A_308 = arith.constant 0 : i32
        %dma_start3A_309 = tpu.memref_slice %arg9[%run_scoped3A_198, %dma_start3A_307, %dma_start3A_308] : memref<3x128x128xf32, #tpu.memory_space<vmem>> -> memref<1x128x128xf32, #tpu.memory_space<vmem>>
        %dma_start3A_310 = tpu.memref_squeeze %dma_start3A_309 : memref<1x128x128xf32, #tpu.memory_space<vmem>> -> memref<128x128xf32, #tpu.memory_space<vmem>>
        %dma_start3A_311 = arith.constant 0 : i32
        %dma_start3A_312 = tpu.memref_slice %arg8[%run_scoped3A_199, %dma_start3A_311] : memref<3x128xi32, #tpu.memory_space<vmem>> -> memref<1x128xi32, #tpu.memory_space<vmem>>
        %dma_start3A_313 = tpu.memref_squeeze %dma_start3A_312 : memref<1x128xi32, #tpu.memory_space<vmem>> -> memref<128xi32, #tpu.memory_space<vmem>>
        %dma_start3A_314 = arith.constant 0 : i32
        %dma_start3A_315 = arith.constant 0 : i32
        %dma_start3A_316 = tpu.memref_slice %arg10[%dma_start3A_314, %dma_start3A_315] : memref<10008x128xf32, #tpu.memory_space<vmem_shared>> -> memref<10008x128xf32, #tpu.memory_space<vmem_shared>>
        tpu.enqueue_indirect_dma source(%dma_start3A_310 : memref<128x128xf32, #tpu.memory_space<vmem>>) target(%dma_start3A_316 : memref<10008x128xf32, #tpu.memory_space<vmem_shared>>) offsets(%dma_start3A_313 : memref<128xi32, #tpu.memory_space<vmem>>) semaphore(%run_scoped3A_306 : memref<!tpu.dma_semaphore, #tpu.memory_space<semaphore_mem>>) {add = true}
        %dma_wait3A_317 = arith.constant 0 : i32
        %dma_wait3A_318 = arith.constant 0 : i32
        %dma_wait3A_319 = tpu.memref_slice %arg9[%run_scoped3A_198, %dma_wait3A_317, %dma_wait3A_318] : memref<3x128x128xf32, #tpu.memory_space<vmem>> -> memref<1x128x128xf32, #tpu.memory_space<vmem>>
        %dma_wait3A_320 = tpu.memref_squeeze %dma_wait3A_319 : memref<1x128x128xf32, #tpu.memory_space<vmem>> -> memref<128x128xf32, #tpu.memory_space<vmem>>
        %dma_wait3A_321 = arith.constant 0 : i32
        %dma_wait3A_322 = tpu.memref_slice %arg8[%run_scoped3A_199, %dma_wait3A_321] : memref<3x128xi32, #tpu.memory_space<vmem>> -> memref<1x128xi32, #tpu.memory_space<vmem>>
        %dma_wait3A_323 = tpu.memref_squeeze %dma_wait3A_322 : memref<1x128xi32, #tpu.memory_space<vmem>> -> memref<128xi32, #tpu.memory_space<vmem>>
        %dma_wait3A_324 = arith.constant 0 : i32
        %dma_wait3A_325 = arith.constant 0 : i32
        %dma_wait3A_326 = tpu.memref_slice %arg10[%dma_wait3A_324, %dma_wait3A_325] : memref<10008x128xf32, #tpu.memory_space<vmem_shared>> -> memref<10008x128xf32, #tpu.memory_space<vmem_shared>>
        tpu.wait_indirect_dma semaphore(%run_scoped3A_306 : memref<!tpu.dma_semaphore, #tpu.memory_space<semaphore_mem>>) src(%dma_wait3A_320 : memref<128x128xf32, #tpu.memory_space<vmem>>) dst(%dma_wait3A_326 : memref<10008x128xf32, #tpu.memory_space<vmem_shared>>)
        tpu.yield
      }) : () -> ()
      %dma_wait3A_200 = arith.constant 0 : i32
      %dma_wait3A_201 = arith.constant 0 : i32
      %dma_wait3A_202 = tpu.memref_slice %arg7[%dma_wait3A_200, %dma_wait3A_201] : memref<3x128xi32, #tpu.memory_space<vmem>> -> memref<1x128xi32, #tpu.memory_space<vmem>>
      %dma_wait3A_203 = tpu.memref_squeeze %dma_wait3A_202 : memref<1x128xi32, #tpu.memory_space<vmem>> -> memref<128xi32, #tpu.memory_space<vmem>>
      %dma_wait3A_204 = tpu.memref_slice %arg2[%mul3A_2] : memref<327680xi32, #tpu.memory_space<hbm>> -> memref<128xi32, #tpu.memory_space<hbm>>
      %dma_wait3A_205 = arith.constant 0 : i32
      %dma_wait3A_206 = tpu.memref_slice %arg7[%dma_wait3A_200, %dma_wait3A_205] : memref<3x128xi32, #tpu.memory_space<vmem>> -> memref<1x128xi32, #tpu.memory_space<vmem>>
      %dma_wait3A_207 = tpu.memref_squeeze %dma_wait3A_206 : memref<1x128xi32, #tpu.memory_space<vmem>> -> memref<128xi32, #tpu.memory_space<vmem>>
      %dma_wait3A_208 = tpu.memref_slice %arg2[%mul3A_2] : memref<327680xi32, #tpu.memory_space<hbm>> -> memref<128xi32, #tpu.memory_space<hbm>>
      tpu.wait_dma2 semaphore(%arg14 : memref<!tpu.dma_semaphore, #tpu.memory_space<semaphore_mem>>) src(%dma_wait3A_208 : memref<128xi32, #tpu.memory_space<hbm>>) dst(%dma_wait3A_207 : memref<128xi32, #tpu.memory_space<vmem>>)
      %dma_wait3A_209 = arith.constant 0 : i32
      %dma_wait3A_210 = arith.constant 0 : i32
      %dma_wait3A_211 = tpu.memref_slice %arg8[%dma_wait3A_209, %dma_wait3A_210] : memref<3x128xi32, #tpu.memory_space<vmem>> -> memref<1x128xi32, #tpu.memory_space<vmem>>
      %dma_wait3A_212 = tpu.memref_squeeze %dma_wait3A_211 : memref<1x128xi32, #tpu.memory_space<vmem>> -> memref<128xi32, #tpu.memory_space<vmem>>
      %dma_wait3A_213 = tpu.memref_slice %arg3[%mul3A_2] : memref<327680xi32, #tpu.memory_space<hbm>> -> memref<128xi32, #tpu.memory_space<hbm>>
      %dma_wait3A_214 = arith.constant 0 : i32
      %dma_wait3A_215 = tpu.memref_slice %arg8[%dma_wait3A_209, %dma_wait3A_214] : memref<3x128xi32, #tpu.memory_space<vmem>> -> memref<1x128xi32, #tpu.memory_space<vmem>>
      %dma_wait3A_216 = tpu.memref_squeeze %dma_wait3A_215 : memref<1x128xi32, #tpu.memory_space<vmem>> -> memref<128xi32, #tpu.memory_space<vmem>>
      %dma_wait3A_217 = tpu.memref_slice %arg3[%mul3A_2] : memref<327680xi32, #tpu.memory_space<hbm>> -> memref<128xi32, #tpu.memory_space<hbm>>
      tpu.wait_dma2 semaphore(%arg14 : memref<!tpu.dma_semaphore, #tpu.memory_space<semaphore_mem>>) src(%dma_wait3A_217 : memref<128xi32, #tpu.memory_space<hbm>>) dst(%dma_wait3A_216 : memref<128xi32, #tpu.memory_space<vmem>>)
      %dma_start3A_218 = arith.constant 0 : i32
      %dma_start3A_219 = arith.constant 0 : i32
      %dma_start3A_220 = arith.constant 0 : i32
      %dma_start3A_221 = arith.constant 0 : i32
      %dma_start3A_222 = tpu.memref_slice %arg9[%dma_start3A_219, %dma_start3A_220, %dma_start3A_221] : memref<3x128x128xf32, #tpu.memory_space<vmem>> -> memref<1x128x128xf32, #tpu.memory_space<vmem>>
      %dma_start3A_223 = tpu.memref_squeeze %dma_start3A_222 : memref<1x128x128xf32, #tpu.memory_space<vmem>> -> memref<128x128xf32, #tpu.memory_space<vmem>>
      %dma_start3A_224 = arith.constant 0 : i32
      %dma_start3A_225 = tpu.memref_slice %arg7[%dma_start3A_218, %dma_start3A_224] : memref<3x128xi32, #tpu.memory_space<vmem>> -> memref<1x128xi32, #tpu.memory_space<vmem>>
      %dma_start3A_226 = tpu.memref_squeeze %dma_start3A_225 : memref<1x128xi32, #tpu.memory_space<vmem>> -> memref<128xi32, #tpu.memory_space<vmem>>
      %dma_start3A_227 = arith.constant 0 : i32
      %dma_start3A_228 = arith.constant 0 : i32
      %dma_start3A_229 = tpu.memref_slice %arg4[%dma_start3A_227, %dma_start3A_228] : memref<10000x128xf32, #tpu.memory_space<hbm>> -> memref<10000x128xf32, #tpu.memory_space<hbm>>
      tpu.enqueue_indirect_dma source(%dma_start3A_229 : memref<10000x128xf32, #tpu.memory_space<hbm>>) target(%dma_start3A_223 : memref<128x128xf32, #tpu.memory_space<vmem>>) offsets(%dma_start3A_226 : memref<128xi32, #tpu.memory_space<vmem>>) semaphore(%arg11 : memref<!tpu.dma_semaphore, #tpu.memory_space<semaphore_mem>>)
      %mul3A_230 = arith.constant 3 : i32
      %mul3A_231 = arith.muli %scan3A_77, %mul3A_230 : i32
      %add3A_232 = arith.constant 2 : i32
      %add3A_233 = arith.addi %mul3A_231, %add3A_232 : i32
      %dma_wait3A_234 = arith.constant 2 : i32
      %dma_wait3A_235 = arith.constant 2 : i32
      %dma_wait3A_236 = arith.constant 0 : i32
      %dma_wait3A_237 = arith.constant 0 : i32
      %dma_wait3A_238 = tpu.memref_slice %arg9[%dma_wait3A_235, %dma_wait3A_236, %dma_wait3A_237] : memref<3x128x128xf32, #tpu.memory_space<vmem>> -> memref<1x128x128xf32, #tpu.memory_space<vmem>>
      %dma_wait3A_239 = tpu.memref_squeeze %dma_wait3A_238 : memref<1x128x128xf32, #tpu.memory_space<vmem>> -> memref<128x128xf32, #tpu.memory_space<vmem>>
      %dma_wait3A_240 = arith.constant 0 : i32
      %dma_wait3A_241 = tpu.memref_slice %arg7[%dma_wait3A_234, %dma_wait3A_240] : memref<3x128xi32, #tpu.memory_space<vmem>> -> memref<1x128xi32, #tpu.memory_space<vmem>>
      %dma_wait3A_242 = tpu.memref_squeeze %dma_wait3A_241 : memref<1x128xi32, #tpu.memory_space<vmem>> -> memref<128xi32, #tpu.memory_space<vmem>>
      %dma_wait3A_243 = arith.constant 0 : i32
      %dma_wait3A_244 = arith.constant 0 : i32
      %dma_wait3A_245 = tpu.memref_slice %arg4[%dma_wait3A_243, %dma_wait3A_244] : memref<10000x128xf32, #tpu.memory_space<hbm>> -> memref<10000x128xf32, #tpu.memory_space<hbm>>
      tpu.wait_indirect_dma semaphore(%arg13 : memref<!tpu.dma_semaphore, #tpu.memory_space<semaphore_mem>>) src(%dma_wait3A_245 : memref<10000x128xf32, #tpu.memory_space<hbm>>) dst(%dma_wait3A_239 : memref<128x128xf32, #tpu.memory_space<vmem>>)
      %add3A_246 = arith.constant 2 : i32
      %add3A_247 = arith.addi %add3A_233, %add3A_246 : i32
      %mul3A_248 = arith.constant 128 : i32
      %mul3A_249 = arith.muli %add3A_247, %mul3A_248 : i32
      %add3A_250 = arith.addi %mul3A_2, %mul3A_249 : i32
      %dma_start3A_251 = arith.constant 1 : i32
      %dma_start3A_252 = arith.constant 0 : i32
      %dma_start3A_253 = tpu.memref_slice %arg7[%dma_start3A_251, %dma_start3A_252] : memref<3x128xi32, #tpu.memory_space<vmem>> -> memref<1x128xi32, #tpu.memory_space<vmem>>
      %dma_start3A_254 = tpu.memref_squeeze %dma_start3A_253 : memref<1x128xi32, #tpu.memory_space<vmem>> -> memref<128xi32, #tpu.memory_space<vmem>>
      %dma_start3A_255 = tpu.memref_slice %arg2[%add3A_250] : memref<327680xi32, #tpu.memory_space<hbm>> -> memref<128xi32, #tpu.memory_space<hbm>>
      %dma_start3A_256 = arith.constant 0 : i32
      %dma_start3A_257 = tpu.memref_slice %arg7[%dma_start3A_251, %dma_start3A_256] : memref<3x128xi32, #tpu.memory_space<vmem>> -> memref<1x128xi32, #tpu.memory_space<vmem>>
      %dma_start3A_258 = tpu.memref_squeeze %dma_start3A_257 : memref<1x128xi32, #tpu.memory_space<vmem>> -> memref<128xi32, #tpu.memory_space<vmem>>
      %dma_start3A_259 = tpu.memref_slice %arg2[%add3A_250] : memref<327680xi32, #tpu.memory_space<hbm>> -> memref<128xi32, #tpu.memory_space<hbm>>
      tpu.enqueue_dma source(%dma_start3A_259 : memref<128xi32, #tpu.memory_space<hbm>>) target(%dma_start3A_258 : memref<128xi32, #tpu.memory_space<vmem>>) target_semaphore(%arg15 : memref<!tpu.dma_semaphore, #tpu.memory_space<semaphore_mem>>)
      %add3A_260 = arith.constant 2 : i32
      %add3A_261 = arith.addi %add3A_233, %add3A_260 : i32
      %mul3A_262 = arith.constant 128 : i32
      %mul3A_263 = arith.muli %add3A_261, %mul3A_262 : i32
      %add3A_264 = arith.addi %mul3A_2, %mul3A_263 : i32
      %dma_start3A_265 = arith.constant 1 : i32
      %dma_start3A_266 = arith.constant 0 : i32
      %dma_start3A_267 = tpu.memref_slice %arg8[%dma_start3A_265, %dma_start3A_266] : memref<3x128xi32, #tpu.memory_space<vmem>> -> memref<1x128xi32, #tpu.memory_space<vmem>>
      %dma_start3A_268 = tpu.memref_squeeze %dma_start3A_267 : memref<1x128xi32, #tpu.memory_space<vmem>> -> memref<128xi32, #tpu.memory_space<vmem>>
      %dma_start3A_269 = tpu.memref_slice %arg3[%add3A_264] : memref<327680xi32, #tpu.memory_space<hbm>> -> memref<128xi32, #tpu.memory_space<hbm>>
      %dma_start3A_270 = arith.constant 0 : i32
      %dma_start3A_271 = tpu.memref_slice %arg8[%dma_start3A_265, %dma_start3A_270] : memref<3x128xi32, #tpu.memory_space<vmem>> -> memref<1x128xi32, #tpu.memory_space<vmem>>
      %dma_start3A_272 = tpu.memref_squeeze %dma_start3A_271 : memref<1x128xi32, #tpu.memory_space<vmem>> -> memref<128xi32, #tpu.memory_space<vmem>>
      %dma_start3A_273 = tpu.memref_slice %arg3[%add3A_264] : memref<327680xi32, #tpu.memory_space<hbm>> -> memref<128xi32, #tpu.memory_space<hbm>>
      tpu.enqueue_dma source(%dma_start3A_273 : memref<128xi32, #tpu.memory_space<hbm>>) target(%dma_start3A_272 : memref<128xi32, #tpu.memory_space<vmem>>) target_semaphore(%arg15 : memref<!tpu.dma_semaphore, #tpu.memory_space<semaphore_mem>>)
      %run_scoped3A_274 = arith.constant 2 : i32
      %run_scoped3A_275 = arith.constant 2 : i32
      "tpu.region"() ({
        %run_scoped3A_306 = tpu.sem_alloc : memref<!tpu.dma_semaphore, #tpu.memory_space<semaphore_mem>>
        %dma_start3A_307 = arith.constant 0 : i32
        %dma_start3A_308 = arith.constant 0 : i32
        %dma_start3A_309 = tpu.memref_slice %arg9[%run_scoped3A_274, %dma_start3A_307, %dma_start3A_308] : memref<3x128x128xf32, #tpu.memory_space<vmem>> -> memref<1x128x128xf32, #tpu.memory_space<vmem>>
        %dma_start3A_310 = tpu.memref_squeeze %dma_start3A_309 : memref<1x128x128xf32, #tpu.memory_space<vmem>> -> memref<128x128xf32, #tpu.memory_space<vmem>>
        %dma_start3A_311 = arith.constant 0 : i32
        %dma_start3A_312 = tpu.memref_slice %arg8[%run_scoped3A_275, %dma_start3A_311] : memref<3x128xi32, #tpu.memory_space<vmem>> -> memref<1x128xi32, #tpu.memory_space<vmem>>
        %dma_start3A_313 = tpu.memref_squeeze %dma_start3A_312 : memref<1x128xi32, #tpu.memory_space<vmem>> -> memref<128xi32, #tpu.memory_space<vmem>>
        %dma_start3A_314 = arith.constant 0 : i32
        %dma_start3A_315 = arith.constant 0 : i32
        %dma_start3A_316 = tpu.memref_slice %arg10[%dma_start3A_314, %dma_start3A_315] : memref<10008x128xf32, #tpu.memory_space<vmem_shared>> -> memref<10008x128xf32, #tpu.memory_space<vmem_shared>>
        tpu.enqueue_indirect_dma source(%dma_start3A_310 : memref<128x128xf32, #tpu.memory_space<vmem>>) target(%dma_start3A_316 : memref<10008x128xf32, #tpu.memory_space<vmem_shared>>) offsets(%dma_start3A_313 : memref<128xi32, #tpu.memory_space<vmem>>) semaphore(%run_scoped3A_306 : memref<!tpu.dma_semaphore, #tpu.memory_space<semaphore_mem>>) {add = true}
        %dma_wait3A_317 = arith.constant 0 : i32
        %dma_wait3A_318 = arith.constant 0 : i32
        %dma_wait3A_319 = tpu.memref_slice %arg9[%run_scoped3A_274, %dma_wait3A_317, %dma_wait3A_318] : memref<3x128x128xf32, #tpu.memory_space<vmem>> -> memref<1x128x128xf32, #tpu.memory_space<vmem>>
        %dma_wait3A_320 = tpu.memref_squeeze %dma_wait3A_319 : memref<1x128x128xf32, #tpu.memory_space<vmem>> -> memref<128x128xf32, #tpu.memory_space<vmem>>
        %dma_wait3A_321 = arith.constant 0 : i32
        %dma_wait3A_322 = tpu.memref_slice %arg8[%run_scoped3A_275, %dma_wait3A_321] : memref<3x128xi32, #tpu.memory_space<vmem>> -> memref<1x128xi32, #tpu.memory_space<vmem>>
        %dma_wait3A_323 = tpu.memref_squeeze %dma_wait3A_322 : memref<1x128xi32, #tpu.memory_space<vmem>> -> memref<128xi32, #tpu.memory_space<vmem>>
        %dma_wait3A_324 = arith.constant 0 : i32
        %dma_wait3A_325 = arith.constant 0 : i32
        %dma_wait3A_326 = tpu.memref_slice %arg10[%dma_wait3A_324, %dma_wait3A_325] : memref<10008x128xf32, #tpu.memory_space<vmem_shared>> -> memref<10008x128xf32, #tpu.memory_space<vmem_shared>>
        tpu.wait_indirect_dma semaphore(%run_scoped3A_306 : memref<!tpu.dma_semaphore, #tpu.memory_space<semaphore_mem>>) src(%dma_wait3A_320 : memref<128x128xf32, #tpu.memory_space<vmem>>) dst(%dma_wait3A_326 : memref<10008x128xf32, #tpu.memory_space<vmem_shared>>)
        tpu.yield
      }) : () -> ()
      %dma_wait3A_276 = arith.constant 1 : i32
      %dma_wait3A_277 = arith.constant 0 : i32
      %dma_wait3A_278 = tpu.memref_slice %arg7[%dma_wait3A_276, %dma_wait3A_277] : memref<3x128xi32, #tpu.memory_space<vmem>> -> memref<1x128xi32, #tpu.memory_space<vmem>>
      %dma_wait3A_279 = tpu.memref_squeeze %dma_wait3A_278 : memref<1x128xi32, #tpu.memory_space<vmem>> -> memref<128xi32, #tpu.memory_space<vmem>>
      %dma_wait3A_280 = tpu.memref_slice %arg2[%mul3A_2] : memref<327680xi32, #tpu.memory_space<hbm>> -> memref<128xi32, #tpu.memory_space<hbm>>
      %dma_wait3A_281 = arith.constant 0 : i32
      %dma_wait3A_282 = tpu.memref_slice %arg7[%dma_wait3A_276, %dma_wait3A_281] : memref<3x128xi32, #tpu.memory_space<vmem>> -> memref<1x128xi32, #tpu.memory_space<vmem>>
      %dma_wait3A_283 = tpu.memref_squeeze %dma_wait3A_282 : memref<1x128xi32, #tpu.memory_space<vmem>> -> memref<128xi32, #tpu.memory_space<vmem>>
      %dma_wait3A_284 = tpu.memref_slice %arg2[%mul3A_2] : memref<327680xi32, #tpu.memory_space<hbm>> -> memref<128xi32, #tpu.memory_space<hbm>>
      tpu.wait_dma2 semaphore(%arg15 : memref<!tpu.dma_semaphore, #tpu.memory_space<semaphore_mem>>) src(%dma_wait3A_284 : memref<128xi32, #tpu.memory_space<hbm>>) dst(%dma_wait3A_283 : memref<128xi32, #tpu.memory_space<vmem>>)
      %dma_wait3A_285 = arith.constant 1 : i32
      %dma_wait3A_286 = arith.constant 0 : i32
      %dma_wait3A_287 = tpu.memref_slice %arg8[%dma_wait3A_285, %dma_wait3A_286] : memref<3x128xi32, #tpu.memory_space<vmem>> -> memref<1x128xi32, #tpu.memory_space<vmem>>
      %dma_wait3A_288 = tpu.memref_squeeze %dma_wait3A_287 : memref<1x128xi32, #tpu.memory_space<vmem>> -> memref<128xi32, #tpu.memory_space<vmem>>
      %dma_wait3A_289 = tpu.memref_slice %arg3[%mul3A_2] : memref<327680xi32, #tpu.memory_space<hbm>> -> memref<128xi32, #tpu.memory_space<hbm>>
      %dma_wait3A_290 = arith.constant 0 : i32
      %dma_wait3A_291 = tpu.memref_slice %arg8[%dma_wait3A_285, %dma_wait3A_290] : memref<3x128xi32, #tpu.memory_space<vmem>> -> memref<1x128xi32, #tpu.memory_space<vmem>>
      %dma_wait3A_292 = tpu.memref_squeeze %dma_wait3A_291 : memref<1x128xi32, #tpu.memory_space<vmem>> -> memref<128xi32, #tpu.memory_space<vmem>>
      %dma_wait3A_293 = tpu.memref_slice %arg3[%mul3A_2] : memref<327680xi32, #tpu.memory_space<hbm>> -> memref<128xi32, #tpu.memory_space<hbm>>
      tpu.wait_dma2 semaphore(%arg15 : memref<!tpu.dma_semaphore, #tpu.memory_space<semaphore_mem>>) src(%dma_wait3A_293 : memref<128xi32, #tpu.memory_space<hbm>>) dst(%dma_wait3A_292 : memref<128xi32, #tpu.memory_space<vmem>>)
      %dma_start3A_294 = arith.constant 1 : i32
      %dma_start3A_295 = arith.constant 1 : i32
      %dma_start3A_296 = arith.constant 0 : i32
      %dma_start3A_297 = arith.constant 0 : i32
      %dma_start3A_298 = tpu.memref_slice %arg9[%dma_start3A_295, %dma_start3A_296, %dma_start3A_297] : memref<3x128x128xf32, #tpu.memory_space<vmem>> -> memref<1x128x128xf32, #tpu.memory_space<vmem>>
      %dma_start3A_299 = tpu.memref_squeeze %dma_start3A_298 : memref<1x128x128xf32, #tpu.memory_space<vmem>> -> memref<128x128xf32, #tpu.memory_space<vmem>>
      %dma_start3A_300 = arith.constant 0 : i32
      %dma_start3A_301 = tpu.memref_slice %arg7[%dma_start3A_294, %dma_start3A_300] : memref<3x128xi32, #tpu.memory_space<vmem>> -> memref<1x128xi32, #tpu.memory_space<vmem>>
      %dma_start3A_302 = tpu.memref_squeeze %dma_start3A_301 : memref<1x128xi32, #tpu.memory_space<vmem>> -> memref<128xi32, #tpu.memory_space<vmem>>
      %dma_start3A_303 = arith.constant 0 : i32
      %dma_start3A_304 = arith.constant 0 : i32
      %dma_start3A_305 = tpu.memref_slice %arg4[%dma_start3A_303, %dma_start3A_304] : memref<10000x128xf32, #tpu.memory_space<hbm>> -> memref<10000x128xf32, #tpu.memory_space<hbm>>
      tpu.enqueue_indirect_dma source(%dma_start3A_305 : memref<10000x128xf32, #tpu.memory_space<hbm>>) target(%dma_start3A_299 : memref<128x128xf32, #tpu.memory_space<vmem>>) offsets(%dma_start3A_302 : memref<128xi32, #tpu.memory_space<vmem>>) semaphore(%arg12 : memref<!tpu.dma_semaphore, #tpu.memory_space<semaphore_mem>>)
    }
    %scan3A_43 = arith.constant 26 : i32
    %dma_wait3A = arith.constant 0 : i32
    %dma_wait3A_44 = arith.constant 0 : i32
    %dma_wait3A_45 = arith.constant 0 : i32
    %dma_wait3A_46 = arith.constant 0 : i32
    %dma_wait3A_47 = tpu.memref_slice %arg9[%dma_wait3A_44, %dma_wait3A_45, %dma_wait3A_46] : memref<3x128x128xf32, #tpu.memory_space<vmem>> -> memref<1x128x128xf32, #tpu.memory_space<vmem>>
    %dma_wait3A_48 = tpu.memref_squeeze %dma_wait3A_47 : memref<1x128x128xf32, #tpu.memory_space<vmem>> -> memref<128x128xf32, #tpu.memory_space<vmem>>
    %dma_wait3A_49 = arith.constant 0 : i32
    %dma_wait3A_50 = tpu.memref_slice %arg7[%dma_wait3A, %dma_wait3A_49] : memref<3x128xi32, #tpu.memory_space<vmem>> -> memref<1x128xi32, #tpu.memory_space<vmem>>
    %dma_wait3A_51 = tpu.memref_squeeze %dma_wait3A_50 : memref<1x128xi32, #tpu.memory_space<vmem>> -> memref<128xi32, #tpu.memory_space<vmem>>
    %dma_wait3A_52 = arith.constant 0 : i32
    %dma_wait3A_53 = arith.constant 0 : i32
    %dma_wait3A_54 = tpu.memref_slice %arg4[%dma_wait3A_52, %dma_wait3A_53] : memref<10000x128xf32, #tpu.memory_space<hbm>> -> memref<10000x128xf32, #tpu.memory_space<hbm>>
    tpu.wait_indirect_dma semaphore(%arg11 : memref<!tpu.dma_semaphore, #tpu.memory_space<semaphore_mem>>) src(%dma_wait3A_54 : memref<10000x128xf32, #tpu.memory_space<hbm>>) dst(%dma_wait3A_48 : memref<128x128xf32, #tpu.memory_space<vmem>>)
    %run_scoped3A_55 = arith.constant 0 : i32
    %run_scoped3A_56 = arith.constant 0 : i32
    "tpu.region"() ({
      %run_scoped3A_77 = tpu.sem_alloc : memref<!tpu.dma_semaphore, #tpu.memory_space<semaphore_mem>>
      %dma_start3A_78 = arith.constant 0 : i32
      %dma_start3A_79 = arith.constant 0 : i32
      %dma_start3A_80 = tpu.memref_slice %arg9[%run_scoped3A_55, %dma_start3A_78, %dma_start3A_79] : memref<3x128x128xf32, #tpu.memory_space<vmem>> -> memref<1x128x128xf32, #tpu.memory_space<vmem>>
      %dma_start3A_81 = tpu.memref_squeeze %dma_start3A_80 : memref<1x128x128xf32, #tpu.memory_space<vmem>> -> memref<128x128xf32, #tpu.memory_space<vmem>>
      %dma_start3A_82 = arith.constant 0 : i32
      %dma_start3A_83 = tpu.memref_slice %arg8[%run_scoped3A_56, %dma_start3A_82] : memref<3x128xi32, #tpu.memory_space<vmem>> -> memref<1x128xi32, #tpu.memory_space<vmem>>
      %dma_start3A_84 = tpu.memref_squeeze %dma_start3A_83 : memref<1x128xi32, #tpu.memory_space<vmem>> -> memref<128xi32, #tpu.memory_space<vmem>>
      %dma_start3A_85 = arith.constant 0 : i32
      %dma_start3A_86 = arith.constant 0 : i32
      %dma_start3A_87 = tpu.memref_slice %arg10[%dma_start3A_85, %dma_start3A_86] : memref<10008x128xf32, #tpu.memory_space<vmem_shared>> -> memref<10008x128xf32, #tpu.memory_space<vmem_shared>>
      tpu.enqueue_indirect_dma source(%dma_start3A_81 : memref<128x128xf32, #tpu.memory_space<vmem>>) target(%dma_start3A_87 : memref<10008x128xf32, #tpu.memory_space<vmem_shared>>) offsets(%dma_start3A_84 : memref<128xi32, #tpu.memory_space<vmem>>) semaphore(%run_scoped3A_77 : memref<!tpu.dma_semaphore, #tpu.memory_space<semaphore_mem>>) {add = true}
      %dma_wait3A_88 = arith.constant 0 : i32
      %dma_wait3A_89 = arith.constant 0 : i32
      %dma_wait3A_90 = tpu.memref_slice %arg9[%run_scoped3A_55, %dma_wait3A_88, %dma_wait3A_89] : memref<3x128x128xf32, #tpu.memory_space<vmem>> -> memref<1x128x128xf32, #tpu.memory_space<vmem>>
      %dma_wait3A_91 = tpu.memref_squeeze %dma_wait3A_90 : memref<1x128x128xf32, #tpu.memory_space<vmem>> -> memref<128x128xf32, #tpu.memory_space<vmem>>
      %dma_wait3A_92 = arith.constant 0 : i32
      %dma_wait3A_93 = tpu.memref_slice %arg8[%run_scoped3A_56, %dma_wait3A_92] : memref<3x128xi32, #tpu.memory_space<vmem>> -> memref<1x128xi32, #tpu.memory_space<vmem>>
      %dma_wait3A_94 = tpu.memref_squeeze %dma_wait3A_93 : memref<1x128xi32, #tpu.memory_space<vmem>> -> memref<128xi32, #tpu.memory_space<vmem>>
      %dma_wait3A_95 = arith.constant 0 : i32
      %dma_wait3A_96 = arith.constant 0 : i32
      %dma_wait3A_97 = tpu.memref_slice %arg10[%dma_wait3A_95, %dma_wait3A_96] : memref<10008x128xf32, #tpu.memory_space<vmem_shared>> -> memref<10008x128xf32, #tpu.memory_space<vmem_shared>>
      tpu.wait_indirect_dma semaphore(%run_scoped3A_77 : memref<!tpu.dma_semaphore, #tpu.memory_space<semaphore_mem>>) src(%dma_wait3A_91 : memref<128x128xf32, #tpu.memory_space<vmem>>) dst(%dma_wait3A_97 : memref<10008x128xf32, #tpu.memory_space<vmem_shared>>)
      tpu.yield
    }) : () -> ()
    %dma_wait3A_57 = arith.constant 1 : i32
    %dma_wait3A_58 = arith.constant 1 : i32
    %dma_wait3A_59 = arith.constant 0 : i32
    %dma_wait3A_60 = arith.constant 0 : i32
    %dma_wait3A_61 = tpu.memref_slice %arg9[%dma_wait3A_58, %dma_wait3A_59, %dma_wait3A_60] : memref<3x128x128xf32, #tpu.memory_space<vmem>> -> memref<1x128x128xf32, #tpu.memory_space<vmem>>
    %dma_wait3A_62 = tpu.memref_squeeze %dma_wait3A_61 : memref<1x128x128xf32, #tpu.memory_space<vmem>> -> memref<128x128xf32, #tpu.memory_space<vmem>>
    %dma_wait3A_63 = arith.constant 0 : i32
    %dma_wait3A_64 = tpu.memref_slice %arg7[%dma_wait3A_57, %dma_wait3A_63] : memref<3x128xi32, #tpu.memory_space<vmem>> -> memref<1x128xi32, #tpu.memory_space<vmem>>
    %dma_wait3A_65 = tpu.memref_squeeze %dma_wait3A_64 : memref<1x128xi32, #tpu.memory_space<vmem>> -> memref<128xi32, #tpu.memory_space<vmem>>
    %dma_wait3A_66 = arith.constant 0 : i32
    %dma_wait3A_67 = arith.constant 0 : i32
    %dma_wait3A_68 = tpu.memref_slice %arg4[%dma_wait3A_66, %dma_wait3A_67] : memref<10000x128xf32, #tpu.memory_space<hbm>> -> memref<10000x128xf32, #tpu.memory_space<hbm>>
    tpu.wait_indirect_dma semaphore(%arg12 : memref<!tpu.dma_semaphore, #tpu.memory_space<semaphore_mem>>) src(%dma_wait3A_68 : memref<10000x128xf32, #tpu.memory_space<hbm>>) dst(%dma_wait3A_62 : memref<128x128xf32, #tpu.memory_space<vmem>>)
    %run_scoped3A_69 = arith.constant 1 : i32
    %run_scoped3A_70 = arith.constant 1 : i32
    "tpu.region"() ({
      %run_scoped3A_77 = tpu.sem_alloc : memref<!tpu.dma_semaphore, #tpu.memory_space<semaphore_mem>>
      %dma_start3A_78 = arith.constant 0 : i32
      %dma_start3A_79 = arith.constant 0 : i32
      %dma_start3A_80 = tpu.memref_slice %arg9[%run_scoped3A_69, %dma_start3A_78, %dma_start3A_79] : memref<3x128x128xf32, #tpu.memory_space<vmem>> -> memref<1x128x128xf32, #tpu.memory_space<vmem>>
      %dma_start3A_81 = tpu.memref_squeeze %dma_start3A_80 : memref<1x128x128xf32, #tpu.memory_space<vmem>> -> memref<128x128xf32, #tpu.memory_space<vmem>>
      %dma_start3A_82 = arith.constant 0 : i32
      %dma_start3A_83 = tpu.memref_slice %arg8[%run_scoped3A_70, %dma_start3A_82] : memref<3x128xi32, #tpu.memory_space<vmem>> -> memref<1x128xi32, #tpu.memory_space<vmem>>
      %dma_start3A_84 = tpu.memref_squeeze %dma_start3A_83 : memref<1x128xi32, #tpu.memory_space<vmem>> -> memref<128xi32, #tpu.memory_space<vmem>>
      %dma_start3A_85 = arith.constant 0 : i32
      %dma_start3A_86 = arith.constant 0 : i32
      %dma_start3A_87 = tpu.memref_slice %arg10[%dma_start3A_85, %dma_start3A_86] : memref<10008x128xf32, #tpu.memory_space<vmem_shared>> -> memref<10008x128xf32, #tpu.memory_space<vmem_shared>>
      tpu.enqueue_indirect_dma source(%dma_start3A_81 : memref<128x128xf32, #tpu.memory_space<vmem>>) target(%dma_start3A_87 : memref<10008x128xf32, #tpu.memory_space<vmem_shared>>) offsets(%dma_start3A_84 : memref<128xi32, #tpu.memory_space<vmem>>) semaphore(%run_scoped3A_77 : memref<!tpu.dma_semaphore, #tpu.memory_space<semaphore_mem>>) {add = true}
      %dma_wait3A_88 = arith.constant 0 : i32
      %dma_wait3A_89 = arith.constant 0 : i32
      %dma_wait3A_90 = tpu.memref_slice %arg9[%run_scoped3A_69, %dma_wait3A_88, %dma_wait3A_89] : memref<3x128x128xf32, #tpu.memory_space<vmem>> -> memref<1x128x128xf32, #tpu.memory_space<vmem>>
      %dma_wait3A_91 = tpu.memref_squeeze %dma_wait3A_90 : memref<1x128x128xf32, #tpu.memory_space<vmem>> -> memref<128x128xf32, #tpu.memory_space<vmem>>
      %dma_wait3A_92 = arith.constant 0 : i32
      %dma_wait3A_93 = tpu.memref_slice %arg8[%run_scoped3A_70, %dma_wait3A_92] : memref<3x128xi32, #tpu.memory_space<vmem>> -> memref<1x128xi32, #tpu.memory_space<vmem>>
      %dma_wait3A_94 = tpu.memref_squeeze %dma_wait3A_93 : memref<1x128xi32, #tpu.memory_space<vmem>> -> memref<128xi32, #tpu.memory_space<vmem>>
      %dma_wait3A_95 = arith.constant 0 : i32
      %dma_wait3A_96 = arith.constant 0 : i32
      %dma_wait3A_97 = tpu.memref_slice %arg10[%dma_wait3A_95, %dma_wait3A_96] : memref<10008x128xf32, #tpu.memory_space<vmem_shared>> -> memref<10008x128xf32, #tpu.memory_space<vmem_shared>>
      tpu.wait_indirect_dma semaphore(%run_scoped3A_77 : memref<!tpu.dma_semaphore, #tpu.memory_space<semaphore_mem>>) src(%dma_wait3A_91 : memref<128x128xf32, #tpu.memory_space<vmem>>) dst(%dma_wait3A_97 : memref<10008x128xf32, #tpu.memory_space<vmem_shared>>)
      tpu.yield
    }) : () -> ()
    %barrier3A_71 = arith.constant 0 : index
    tpu.barrier barrier_id(%barrier3A_71)
    %lt3A_72 = arith.constant 10 : i32
    %lt3A_73 = arith.cmpi slt, %arg1, %lt3A_72 : i32
    %convert_element_type3A_74 = arith.extui %lt3A_73 : i1 to i32
    %cond3A_75 = arith.constant 0 : i32
    %cond3A_76 = arith.cmpi ne, %convert_element_type3A_74, %cond3A_75 : i32
    scf.if %cond3A_76 {
      %mul3A_77 = arith.constant 1000 : i32
      %mul3A_78 = arith.muli %arg1, %mul3A_77 : i32
      "tpu.region"() ({
        %run_scoped3A_79 = tpu.sem_alloc : memref<!tpu.dma_semaphore, #tpu.memory_space<semaphore_mem>>
        %dma_start3A_80 = arith.constant 0 : i32
        %dma_start3A_81 = tpu.memref_slice %arg6[%arg0, %mul3A_78, %dma_start3A_80] : memref<2x10000x128xf32, #tpu.memory_space<hbm>> -> memref<1x1000x128xf32, #tpu.memory_space<hbm>>
        %dma_start3A_82 = tpu.memref_squeeze %dma_start3A_81 : memref<1x1000x128xf32, #tpu.memory_space<hbm>> -> memref<1000x128xf32, #tpu.memory_space<hbm>>
        %dma_start3A_83 = arith.constant 0 : i32
        %dma_start3A_84 = tpu.memref_slice %arg10[%mul3A_78, %dma_start3A_83] : memref<10008x128xf32, #tpu.memory_space<vmem_shared>> -> memref<1000x128xf32, #tpu.memory_space<vmem_shared>>
        tpu.enqueue_dma source(%dma_start3A_84 : memref<1000x128xf32, #tpu.memory_space<vmem_shared>>) target(%dma_start3A_82 : memref<1000x128xf32, #tpu.memory_space<hbm>>) target_semaphore(%run_scoped3A_79 : memref<!tpu.dma_semaphore, #tpu.memory_space<semaphore_mem>>)
        %dma_wait3A_85 = arith.constant 0 : i32
        %dma_wait3A_86 = tpu.memref_slice %arg6[%arg0, %mul3A_78, %dma_wait3A_85] : memref<2x10000x128xf32, #tpu.memory_space<hbm>> -> memref<1x1000x128xf32, #tpu.memory_space<hbm>>
        %dma_wait3A_87 = tpu.memref_squeeze %dma_wait3A_86 : memref<1x1000x128xf32, #tpu.memory_space<hbm>> -> memref<1000x128xf32, #tpu.memory_space<hbm>>
        %dma_wait3A_88 = arith.constant 0 : i32
        %dma_wait3A_89 = tpu.memref_slice %arg10[%mul3A_78, %dma_wait3A_88] : memref<10008x128xf32, #tpu.memory_space<vmem_shared>> -> memref<1000x128xf32, #tpu.memory_space<vmem_shared>>
        tpu.wait_dma2 semaphore(%run_scoped3A_79 : memref<!tpu.dma_semaphore, #tpu.memory_space<semaphore_mem>>) src(%dma_wait3A_89 : memref<1000x128xf32, #tpu.memory_space<vmem_shared>>) dst(%dma_wait3A_87 : memref<1000x128xf32, #tpu.memory_space<hbm>>)
        tpu.yield
      }) : () -> ()
    } else {
    }
    return
  }
}

#map = affine_map<(d0, d1) -> (0, 0)>
#map1 = affine_map<(d0, d1) -> (0, 0, 0)>
module attributes {stable_mosaic.version = 14 : i64} {
  func.func @_deg_pass(%arg0: i32, %arg1: i32, %arg2: memref<2560x128xi32, #tpu.memory_space<hbm>>, %arg3: memref<128x128xf32, #tpu.memory_space<hbm>>, %arg4: memref<1000x128xf32, #tpu.memory_space<hbm>>, %arg5: memref<2x10000x128xf32, #tpu.memory_space<hbm>>, %arg6: memref<80x128xi32, #tpu.memory_space<vmem>>, %arg7: memref<128x128xf32, #tpu.memory_space<vmem>>, %arg8: memref<10008x128xf32, #tpu.memory_space<vmem_shared>>, %arg9: memref<!tpu.dma_semaphore, #tpu.memory_space<semaphore_mem>>) attributes {dimension_semantics = [#tpu.dimension_semantics<core_parallel>, #tpu.dimension_semantics<subcore_parallel>], iteration_bounds = array<i64: 2, 16>, scalar_prefetch = 0 : i64, scratch_operands = 4 : i64, tpu.core_type = #tpu.core_type<sc_vector_subcore>, window_params = [{transform_indices = #map}, {transform_indices = #map}, {transform_indices = #map}, {transform_indices = #map1}]} {
    %mul3A = arith.constant 16 : i32
    %mul3A_0 = arith.muli %arg0, %mul3A : i32
    %add3A = arith.addi %mul3A_0, %arg1 : i32
    %mul3A_1 = arith.constant 80 : i32
    %mul3A_2 = arith.muli %add3A, %mul3A_1 : i32
    "tpu.region"() ({
      %run_scoped3A = tpu.sem_alloc : memref<!tpu.dma_semaphore, #tpu.memory_space<semaphore_mem>>
      %dma_start3A = arith.constant 0 : i32
      %dma_start3A_16 = tpu.memref_slice %arg2[%mul3A_2, %dma_start3A] : memref<2560x128xi32, #tpu.memory_space<hbm>> -> memref<80x128xi32, #tpu.memory_space<hbm>>
      %dma_start3A_17 = arith.constant 0 : i32
      %dma_start3A_18 = tpu.memref_slice %arg2[%mul3A_2, %dma_start3A_17] : memref<2560x128xi32, #tpu.memory_space<hbm>> -> memref<80x128xi32, #tpu.memory_space<hbm>>
      tpu.enqueue_dma source(%dma_start3A_18 : memref<80x128xi32, #tpu.memory_space<hbm>>) target(%arg6 : memref<80x128xi32, #tpu.memory_space<vmem>>) target_semaphore(%run_scoped3A : memref<!tpu.dma_semaphore, #tpu.memory_space<semaphore_mem>>)
      %dma_wait3A = arith.constant 0 : i32
      %dma_wait3A_19 = tpu.memref_slice %arg2[%mul3A_2, %dma_wait3A] : memref<2560x128xi32, #tpu.memory_space<hbm>> -> memref<80x128xi32, #tpu.memory_space<hbm>>
      %dma_wait3A_20 = arith.constant 0 : i32
      %dma_wait3A_21 = tpu.memref_slice %arg2[%mul3A_2, %dma_wait3A_20] : memref<2560x128xi32, #tpu.memory_space<hbm>> -> memref<80x128xi32, #tpu.memory_space<hbm>>
      tpu.wait_dma2 semaphore(%run_scoped3A : memref<!tpu.dma_semaphore, #tpu.memory_space<semaphore_mem>>) src(%dma_wait3A_21 : memref<80x128xi32, #tpu.memory_space<hbm>>) dst(%arg6 : memref<80x128xi32, #tpu.memory_space<vmem>>)
      tpu.yield
    }) : () -> ()
    "tpu.region"() ({
      %run_scoped3A = tpu.sem_alloc : memref<!tpu.dma_semaphore, #tpu.memory_space<semaphore_mem>>
      tpu.enqueue_dma source(%arg3 : memref<128x128xf32, #tpu.memory_space<hbm>>) target(%arg7 : memref<128x128xf32, #tpu.memory_space<vmem>>) target_semaphore(%run_scoped3A : memref<!tpu.dma_semaphore, #tpu.memory_space<semaphore_mem>>)
      tpu.wait_dma2 semaphore(%run_scoped3A : memref<!tpu.dma_semaphore, #tpu.memory_space<semaphore_mem>>) src(%arg3 : memref<128x128xf32, #tpu.memory_space<hbm>>) dst(%arg7 : memref<128x128xf32, #tpu.memory_space<vmem>>)
      tpu.yield
    }) : () -> ()
    %lt3A = arith.constant 10 : i32
    %lt3A_3 = arith.cmpi slt, %arg1, %lt3A : i32
    %convert_element_type3A = arith.extui %lt3A_3 : i1 to i32
    %cond3A = arith.constant 0 : i32
    %cond3A_4 = arith.cmpi ne, %convert_element_type3A, %cond3A : i32
    scf.if %cond3A_4 {
      %mul3A_16 = arith.constant 1000 : i32
      %mul3A_17 = arith.muli %arg1, %mul3A_16 : i32
      "tpu.region"() ({
        %run_scoped3A = tpu.sem_alloc : memref<!tpu.dma_semaphore, #tpu.memory_space<semaphore_mem>>
        %dma_start3A = arith.constant 0 : i32
        %dma_start3A_18 = tpu.memref_slice %arg8[%mul3A_17, %dma_start3A] : memref<10008x128xf32, #tpu.memory_space<vmem_shared>> -> memref<1000x128xf32, #tpu.memory_space<vmem_shared>>
        tpu.enqueue_dma source(%arg4 : memref<1000x128xf32, #tpu.memory_space<hbm>>) target(%dma_start3A_18 : memref<1000x128xf32, #tpu.memory_space<vmem_shared>>) target_semaphore(%run_scoped3A : memref<!tpu.dma_semaphore, #tpu.memory_space<semaphore_mem>>)
        %dma_wait3A = arith.constant 0 : i32
        %dma_wait3A_19 = tpu.memref_slice %arg8[%mul3A_17, %dma_wait3A] : memref<10008x128xf32, #tpu.memory_space<vmem_shared>> -> memref<1000x128xf32, #tpu.memory_space<vmem_shared>>
        tpu.wait_dma2 semaphore(%run_scoped3A : memref<!tpu.dma_semaphore, #tpu.memory_space<semaphore_mem>>) src(%arg4 : memref<1000x128xf32, #tpu.memory_space<hbm>>) dst(%dma_wait3A_19 : memref<1000x128xf32, #tpu.memory_space<vmem_shared>>)
        tpu.yield
      }) : () -> ()
    } else {
    }
    %barrier3A = arith.constant 0 : index
    tpu.barrier barrier_id(%barrier3A)
    %scan3A = arith.constant 0 : i32
    %scan3A_5 = arith.constant 0 : i32
    %scan3A_6 = arith.constant 10 : i32
    %scan3A_7 = arith.addi %scan3A_5, %scan3A_6 : i32
    %scan3A_8 = arith.constant 1 : i32
    scf.for %scan3A_16 = %scan3A_5 to %scan3A_7 step %scan3A_8  : i32 {
      %mul3A_17 = arith.constant 8 : i32
      %mul3A_18 = arith.muli %scan3A_16, %mul3A_17 : i32
      %add3A_19 = arith.constant 0 : i32
      %add3A_20 = arith.addi %mul3A_18, %add3A_19 : i32
      %dma_start3A = arith.constant 0 : i32
      %dma_start3A_21 = tpu.memref_slice %arg6[%add3A_20, %dma_start3A] : memref<80x128xi32, #tpu.memory_space<vmem>> -> memref<1x128xi32, #tpu.memory_space<vmem>>
      %dma_start3A_22 = tpu.memref_squeeze %dma_start3A_21 : memref<1x128xi32, #tpu.memory_space<vmem>> -> memref<128xi32, #tpu.memory_space<vmem>>
      %dma_start3A_23 = arith.constant 0 : i32
      %dma_start3A_24 = arith.constant 0 : i32
      %dma_start3A_25 = tpu.memref_slice %arg8[%dma_start3A_23, %dma_start3A_24] : memref<10008x128xf32, #tpu.memory_space<vmem_shared>> -> memref<10008x128xf32, #tpu.memory_space<vmem_shared>>
      tpu.enqueue_indirect_dma source(%arg7 : memref<128x128xf32, #tpu.memory_space<vmem>>) target(%dma_start3A_25 : memref<10008x128xf32, #tpu.memory_space<vmem_shared>>) offsets(%dma_start3A_22 : memref<128xi32, #tpu.memory_space<vmem>>) semaphore(%arg9 : memref<!tpu.dma_semaphore, #tpu.memory_space<semaphore_mem>>) {add = true}
      %mul3A_26 = arith.constant 8 : i32
      %mul3A_27 = arith.muli %scan3A_16, %mul3A_26 : i32
      %add3A_28 = arith.constant 1 : i32
      %add3A_29 = arith.addi %mul3A_27, %add3A_28 : i32
      %dma_start3A_30 = arith.constant 0 : i32
      %dma_start3A_31 = tpu.memref_slice %arg6[%add3A_29, %dma_start3A_30] : memref<80x128xi32, #tpu.memory_space<vmem>> -> memref<1x128xi32, #tpu.memory_space<vmem>>
      %dma_start3A_32 = tpu.memref_squeeze %dma_start3A_31 : memref<1x128xi32, #tpu.memory_space<vmem>> -> memref<128xi32, #tpu.memory_space<vmem>>
      %dma_start3A_33 = arith.constant 0 : i32
      %dma_start3A_34 = arith.constant 0 : i32
      %dma_start3A_35 = tpu.memref_slice %arg8[%dma_start3A_33, %dma_start3A_34] : memref<10008x128xf32, #tpu.memory_space<vmem_shared>> -> memref<10008x128xf32, #tpu.memory_space<vmem_shared>>
      tpu.enqueue_indirect_dma source(%arg7 : memref<128x128xf32, #tpu.memory_space<vmem>>) target(%dma_start3A_35 : memref<10008x128xf32, #tpu.memory_space<vmem_shared>>) offsets(%dma_start3A_32 : memref<128xi32, #tpu.memory_space<vmem>>) semaphore(%arg9 : memref<!tpu.dma_semaphore, #tpu.memory_space<semaphore_mem>>) {add = true}
      %mul3A_36 = arith.constant 8 : i32
      %mul3A_37 = arith.muli %scan3A_16, %mul3A_36 : i32
      %add3A_38 = arith.constant 2 : i32
      %add3A_39 = arith.addi %mul3A_37, %add3A_38 : i32
      %dma_start3A_40 = arith.constant 0 : i32
      %dma_start3A_41 = tpu.memref_slice %arg6[%add3A_39, %dma_start3A_40] : memref<80x128xi32, #tpu.memory_space<vmem>> -> memref<1x128xi32, #tpu.memory_space<vmem>>
      %dma_start3A_42 = tpu.memref_squeeze %dma_start3A_41 : memref<1x128xi32, #tpu.memory_space<vmem>> -> memref<128xi32, #tpu.memory_space<vmem>>
      %dma_start3A_43 = arith.constant 0 : i32
      %dma_start3A_44 = arith.constant 0 : i32
      %dma_start3A_45 = tpu.memref_slice %arg8[%dma_start3A_43, %dma_start3A_44] : memref<10008x128xf32, #tpu.memory_space<vmem_shared>> -> memref<10008x128xf32, #tpu.memory_space<vmem_shared>>
      tpu.enqueue_indirect_dma source(%arg7 : memref<128x128xf32, #tpu.memory_space<vmem>>) target(%dma_start3A_45 : memref<10008x128xf32, #tpu.memory_space<vmem_shared>>) offsets(%dma_start3A_42 : memref<128xi32, #tpu.memory_space<vmem>>) semaphore(%arg9 : memref<!tpu.dma_semaphore, #tpu.memory_space<semaphore_mem>>) {add = true}
      %mul3A_46 = arith.constant 8 : i32
      %mul3A_47 = arith.muli %scan3A_16, %mul3A_46 : i32
      %add3A_48 = arith.constant 3 : i32
      %add3A_49 = arith.addi %mul3A_47, %add3A_48 : i32
      %dma_start3A_50 = arith.constant 0 : i32
      %dma_start3A_51 = tpu.memref_slice %arg6[%add3A_49, %dma_start3A_50] : memref<80x128xi32, #tpu.memory_space<vmem>> -> memref<1x128xi32, #tpu.memory_space<vmem>>
      %dma_start3A_52 = tpu.memref_squeeze %dma_start3A_51 : memref<1x128xi32, #tpu.memory_space<vmem>> -> memref<128xi32, #tpu.memory_space<vmem>>
      %dma_start3A_53 = arith.constant 0 : i32
      %dma_start3A_54 = arith.constant 0 : i32
      %dma_start3A_55 = tpu.memref_slice %arg8[%dma_start3A_53, %dma_start3A_54] : memref<10008x128xf32, #tpu.memory_space<vmem_shared>> -> memref<10008x128xf32, #tpu.memory_space<vmem_shared>>
      tpu.enqueue_indirect_dma source(%arg7 : memref<128x128xf32, #tpu.memory_space<vmem>>) target(%dma_start3A_55 : memref<10008x128xf32, #tpu.memory_space<vmem_shared>>) offsets(%dma_start3A_52 : memref<128xi32, #tpu.memory_space<vmem>>) semaphore(%arg9 : memref<!tpu.dma_semaphore, #tpu.memory_space<semaphore_mem>>) {add = true}
      %mul3A_56 = arith.constant 8 : i32
      %mul3A_57 = arith.muli %scan3A_16, %mul3A_56 : i32
      %add3A_58 = arith.constant 4 : i32
      %add3A_59 = arith.addi %mul3A_57, %add3A_58 : i32
      %dma_start3A_60 = arith.constant 0 : i32
      %dma_start3A_61 = tpu.memref_slice %arg6[%add3A_59, %dma_start3A_60] : memref<80x128xi32, #tpu.memory_space<vmem>> -> memref<1x128xi32, #tpu.memory_space<vmem>>
      %dma_start3A_62 = tpu.memref_squeeze %dma_start3A_61 : memref<1x128xi32, #tpu.memory_space<vmem>> -> memref<128xi32, #tpu.memory_space<vmem>>
      %dma_start3A_63 = arith.constant 0 : i32
      %dma_start3A_64 = arith.constant 0 : i32
      %dma_start3A_65 = tpu.memref_slice %arg8[%dma_start3A_63, %dma_start3A_64] : memref<10008x128xf32, #tpu.memory_space<vmem_shared>> -> memref<10008x128xf32, #tpu.memory_space<vmem_shared>>
      tpu.enqueue_indirect_dma source(%arg7 : memref<128x128xf32, #tpu.memory_space<vmem>>) target(%dma_start3A_65 : memref<10008x128xf32, #tpu.memory_space<vmem_shared>>) offsets(%dma_start3A_62 : memref<128xi32, #tpu.memory_space<vmem>>) semaphore(%arg9 : memref<!tpu.dma_semaphore, #tpu.memory_space<semaphore_mem>>) {add = true}
      %mul3A_66 = arith.constant 8 : i32
      %mul3A_67 = arith.muli %scan3A_16, %mul3A_66 : i32
      %add3A_68 = arith.constant 5 : i32
      %add3A_69 = arith.addi %mul3A_67, %add3A_68 : i32
      %dma_start3A_70 = arith.constant 0 : i32
      %dma_start3A_71 = tpu.memref_slice %arg6[%add3A_69, %dma_start3A_70] : memref<80x128xi32, #tpu.memory_space<vmem>> -> memref<1x128xi32, #tpu.memory_space<vmem>>
      %dma_start3A_72 = tpu.memref_squeeze %dma_start3A_71 : memref<1x128xi32, #tpu.memory_space<vmem>> -> memref<128xi32, #tpu.memory_space<vmem>>
      %dma_start3A_73 = arith.constant 0 : i32
      %dma_start3A_74 = arith.constant 0 : i32
      %dma_start3A_75 = tpu.memref_slice %arg8[%dma_start3A_73, %dma_start3A_74] : memref<10008x128xf32, #tpu.memory_space<vmem_shared>> -> memref<10008x128xf32, #tpu.memory_space<vmem_shared>>
      tpu.enqueue_indirect_dma source(%arg7 : memref<128x128xf32, #tpu.memory_space<vmem>>) target(%dma_start3A_75 : memref<10008x128xf32, #tpu.memory_space<vmem_shared>>) offsets(%dma_start3A_72 : memref<128xi32, #tpu.memory_space<vmem>>) semaphore(%arg9 : memref<!tpu.dma_semaphore, #tpu.memory_space<semaphore_mem>>) {add = true}
      %mul3A_76 = arith.constant 8 : i32
      %mul3A_77 = arith.muli %scan3A_16, %mul3A_76 : i32
      %add3A_78 = arith.constant 6 : i32
      %add3A_79 = arith.addi %mul3A_77, %add3A_78 : i32
      %dma_start3A_80 = arith.constant 0 : i32
      %dma_start3A_81 = tpu.memref_slice %arg6[%add3A_79, %dma_start3A_80] : memref<80x128xi32, #tpu.memory_space<vmem>> -> memref<1x128xi32, #tpu.memory_space<vmem>>
      %dma_start3A_82 = tpu.memref_squeeze %dma_start3A_81 : memref<1x128xi32, #tpu.memory_space<vmem>> -> memref<128xi32, #tpu.memory_space<vmem>>
      %dma_start3A_83 = arith.constant 0 : i32
      %dma_start3A_84 = arith.constant 0 : i32
      %dma_start3A_85 = tpu.memref_slice %arg8[%dma_start3A_83, %dma_start3A_84] : memref<10008x128xf32, #tpu.memory_space<vmem_shared>> -> memref<10008x128xf32, #tpu.memory_space<vmem_shared>>
      tpu.enqueue_indirect_dma source(%arg7 : memref<128x128xf32, #tpu.memory_space<vmem>>) target(%dma_start3A_85 : memref<10008x128xf32, #tpu.memory_space<vmem_shared>>) offsets(%dma_start3A_82 : memref<128xi32, #tpu.memory_space<vmem>>) semaphore(%arg9 : memref<!tpu.dma_semaphore, #tpu.memory_space<semaphore_mem>>) {add = true}
      %mul3A_86 = arith.constant 8 : i32
      %mul3A_87 = arith.muli %scan3A_16, %mul3A_86 : i32
      %add3A_88 = arith.constant 7 : i32
      %add3A_89 = arith.addi %mul3A_87, %add3A_88 : i32
      %dma_start3A_90 = arith.constant 0 : i32
      %dma_start3A_91 = tpu.memref_slice %arg6[%add3A_89, %dma_start3A_90] : memref<80x128xi32, #tpu.memory_space<vmem>> -> memref<1x128xi32, #tpu.memory_space<vmem>>
      %dma_start3A_92 = tpu.memref_squeeze %dma_start3A_91 : memref<1x128xi32, #tpu.memory_space<vmem>> -> memref<128xi32, #tpu.memory_space<vmem>>
      %dma_start3A_93 = arith.constant 0 : i32
      %dma_start3A_94 = arith.constant 0 : i32
      %dma_start3A_95 = tpu.memref_slice %arg8[%dma_start3A_93, %dma_start3A_94] : memref<10008x128xf32, #tpu.memory_space<vmem_shared>> -> memref<10008x128xf32, #tpu.memory_space<vmem_shared>>
      tpu.enqueue_indirect_dma source(%arg7 : memref<128x128xf32, #tpu.memory_space<vmem>>) target(%dma_start3A_95 : memref<10008x128xf32, #tpu.memory_space<vmem_shared>>) offsets(%dma_start3A_92 : memref<128xi32, #tpu.memory_space<vmem>>) semaphore(%arg9 : memref<!tpu.dma_semaphore, #tpu.memory_space<semaphore_mem>>) {add = true}
      %dma_wait3A = arith.constant 0 : i32
      %dma_wait3A_96 = arith.constant 0 : i32
      %dma_wait3A_97 = tpu.memref_slice %arg6[%dma_wait3A, %dma_wait3A_96] : memref<80x128xi32, #tpu.memory_space<vmem>> -> memref<1x128xi32, #tpu.memory_space<vmem>>
      %dma_wait3A_98 = tpu.memref_squeeze %dma_wait3A_97 : memref<1x128xi32, #tpu.memory_space<vmem>> -> memref<128xi32, #tpu.memory_space<vmem>>
      %dma_wait3A_99 = arith.constant 0 : i32
      %dma_wait3A_100 = arith.constant 0 : i32
      %dma_wait3A_101 = tpu.memref_slice %arg8[%dma_wait3A_99, %dma_wait3A_100] : memref<10008x128xf32, #tpu.memory_space<vmem_shared>> -> memref<10008x128xf32, #tpu.memory_space<vmem_shared>>
      tpu.wait_indirect_dma semaphore(%arg9 : memref<!tpu.dma_semaphore, #tpu.memory_space<semaphore_mem>>) src(%arg7 : memref<128x128xf32, #tpu.memory_space<vmem>>) dst(%dma_wait3A_101 : memref<10008x128xf32, #tpu.memory_space<vmem_shared>>)
      %dma_wait3A_102 = arith.constant 0 : i32
      %dma_wait3A_103 = arith.constant 0 : i32
      %dma_wait3A_104 = tpu.memref_slice %arg6[%dma_wait3A_102, %dma_wait3A_103] : memref<80x128xi32, #tpu.memory_space<vmem>> -> memref<1x128xi32, #tpu.memory_space<vmem>>
      %dma_wait3A_105 = tpu.memref_squeeze %dma_wait3A_104 : memref<1x128xi32, #tpu.memory_space<vmem>> -> memref<128xi32, #tpu.memory_space<vmem>>
      %dma_wait3A_106 = arith.constant 0 : i32
      %dma_wait3A_107 = arith.constant 0 : i32
      %dma_wait3A_108 = tpu.memref_slice %arg8[%dma_wait3A_106, %dma_wait3A_107] : memref<10008x128xf32, #tpu.memory_space<vmem_shared>> -> memref<10008x128xf32, #tpu.memory_space<vmem_shared>>
      tpu.wait_indirect_dma semaphore(%arg9 : memref<!tpu.dma_semaphore, #tpu.memory_space<semaphore_mem>>) src(%arg7 : memref<128x128xf32, #tpu.memory_space<vmem>>) dst(%dma_wait3A_108 : memref<10008x128xf32, #tpu.memory_space<vmem_shared>>)
      %dma_wait3A_109 = arith.constant 0 : i32
      %dma_wait3A_110 = arith.constant 0 : i32
      %dma_wait3A_111 = tpu.memref_slice %arg6[%dma_wait3A_109, %dma_wait3A_110] : memref<80x128xi32, #tpu.memory_space<vmem>> -> memref<1x128xi32, #tpu.memory_space<vmem>>
      %dma_wait3A_112 = tpu.memref_squeeze %dma_wait3A_111 : memref<1x128xi32, #tpu.memory_space<vmem>> -> memref<128xi32, #tpu.memory_space<vmem>>
      %dma_wait3A_113 = arith.constant 0 : i32
      %dma_wait3A_114 = arith.constant 0 : i32
      %dma_wait3A_115 = tpu.memref_slice %arg8[%dma_wait3A_113, %dma_wait3A_114] : memref<10008x128xf32, #tpu.memory_space<vmem_shared>> -> memref<10008x128xf32, #tpu.memory_space<vmem_shared>>
      tpu.wait_indirect_dma semaphore(%arg9 : memref<!tpu.dma_semaphore, #tpu.memory_space<semaphore_mem>>) src(%arg7 : memref<128x128xf32, #tpu.memory_space<vmem>>) dst(%dma_wait3A_115 : memref<10008x128xf32, #tpu.memory_space<vmem_shared>>)
      %dma_wait3A_116 = arith.constant 0 : i32
      %dma_wait3A_117 = arith.constant 0 : i32
      %dma_wait3A_118 = tpu.memref_slice %arg6[%dma_wait3A_116, %dma_wait3A_117] : memref<80x128xi32, #tpu.memory_space<vmem>> -> memref<1x128xi32, #tpu.memory_space<vmem>>
      %dma_wait3A_119 = tpu.memref_squeeze %dma_wait3A_118 : memref<1x128xi32, #tpu.memory_space<vmem>> -> memref<128xi32, #tpu.memory_space<vmem>>
      %dma_wait3A_120 = arith.constant 0 : i32
      %dma_wait3A_121 = arith.constant 0 : i32
      %dma_wait3A_122 = tpu.memref_slice %arg8[%dma_wait3A_120, %dma_wait3A_121] : memref<10008x128xf32, #tpu.memory_space<vmem_shared>> -> memref<10008x128xf32, #tpu.memory_space<vmem_shared>>
      tpu.wait_indirect_dma semaphore(%arg9 : memref<!tpu.dma_semaphore, #tpu.memory_space<semaphore_mem>>) src(%arg7 : memref<128x128xf32, #tpu.memory_space<vmem>>) dst(%dma_wait3A_122 : memref<10008x128xf32, #tpu.memory_space<vmem_shared>>)
      %dma_wait3A_123 = arith.constant 0 : i32
      %dma_wait3A_124 = arith.constant 0 : i32
      %dma_wait3A_125 = tpu.memref_slice %arg6[%dma_wait3A_123, %dma_wait3A_124] : memref<80x128xi32, #tpu.memory_space<vmem>> -> memref<1x128xi32, #tpu.memory_space<vmem>>
      %dma_wait3A_126 = tpu.memref_squeeze %dma_wait3A_125 : memref<1x128xi32, #tpu.memory_space<vmem>> -> memref<128xi32, #tpu.memory_space<vmem>>
      %dma_wait3A_127 = arith.constant 0 : i32
      %dma_wait3A_128 = arith.constant 0 : i32
      %dma_wait3A_129 = tpu.memref_slice %arg8[%dma_wait3A_127, %dma_wait3A_128] : memref<10008x128xf32, #tpu.memory_space<vmem_shared>> -> memref<10008x128xf32, #tpu.memory_space<vmem_shared>>
      tpu.wait_indirect_dma semaphore(%arg9 : memref<!tpu.dma_semaphore, #tpu.memory_space<semaphore_mem>>) src(%arg7 : memref<128x128xf32, #tpu.memory_space<vmem>>) dst(%dma_wait3A_129 : memref<10008x128xf32, #tpu.memory_space<vmem_shared>>)
      %dma_wait3A_130 = arith.constant 0 : i32
      %dma_wait3A_131 = arith.constant 0 : i32
      %dma_wait3A_132 = tpu.memref_slice %arg6[%dma_wait3A_130, %dma_wait3A_131] : memref<80x128xi32, #tpu.memory_space<vmem>> -> memref<1x128xi32, #tpu.memory_space<vmem>>
      %dma_wait3A_133 = tpu.memref_squeeze %dma_wait3A_132 : memref<1x128xi32, #tpu.memory_space<vmem>> -> memref<128xi32, #tpu.memory_space<vmem>>
      %dma_wait3A_134 = arith.constant 0 : i32
      %dma_wait3A_135 = arith.constant 0 : i32
      %dma_wait3A_136 = tpu.memref_slice %arg8[%dma_wait3A_134, %dma_wait3A_135] : memref<10008x128xf32, #tpu.memory_space<vmem_shared>> -> memref<10008x128xf32, #tpu.memory_space<vmem_shared>>
      tpu.wait_indirect_dma semaphore(%arg9 : memref<!tpu.dma_semaphore, #tpu.memory_space<semaphore_mem>>) src(%arg7 : memref<128x128xf32, #tpu.memory_space<vmem>>) dst(%dma_wait3A_136 : memref<10008x128xf32, #tpu.memory_space<vmem_shared>>)
      %dma_wait3A_137 = arith.constant 0 : i32
      %dma_wait3A_138 = arith.constant 0 : i32
      %dma_wait3A_139 = tpu.memref_slice %arg6[%dma_wait3A_137, %dma_wait3A_138] : memref<80x128xi32, #tpu.memory_space<vmem>> -> memref<1x128xi32, #tpu.memory_space<vmem>>
      %dma_wait3A_140 = tpu.memref_squeeze %dma_wait3A_139 : memref<1x128xi32, #tpu.memory_space<vmem>> -> memref<128xi32, #tpu.memory_space<vmem>>
      %dma_wait3A_141 = arith.constant 0 : i32
      %dma_wait3A_142 = arith.constant 0 : i32
      %dma_wait3A_143 = tpu.memref_slice %arg8[%dma_wait3A_141, %dma_wait3A_142] : memref<10008x128xf32, #tpu.memory_space<vmem_shared>> -> memref<10008x128xf32, #tpu.memory_space<vmem_shared>>
      tpu.wait_indirect_dma semaphore(%arg9 : memref<!tpu.dma_semaphore, #tpu.memory_space<semaphore_mem>>) src(%arg7 : memref<128x128xf32, #tpu.memory_space<vmem>>) dst(%dma_wait3A_143 : memref<10008x128xf32, #tpu.memory_space<vmem_shared>>)
      %dma_wait3A_144 = arith.constant 0 : i32
      %dma_wait3A_145 = arith.constant 0 : i32
      %dma_wait3A_146 = tpu.memref_slice %arg6[%dma_wait3A_144, %dma_wait3A_145] : memref<80x128xi32, #tpu.memory_space<vmem>> -> memref<1x128xi32, #tpu.memory_space<vmem>>
      %dma_wait3A_147 = tpu.memref_squeeze %dma_wait3A_146 : memref<1x128xi32, #tpu.memory_space<vmem>> -> memref<128xi32, #tpu.memory_space<vmem>>
      %dma_wait3A_148 = arith.constant 0 : i32
      %dma_wait3A_149 = arith.constant 0 : i32
      %dma_wait3A_150 = tpu.memref_slice %arg8[%dma_wait3A_148, %dma_wait3A_149] : memref<10008x128xf32, #tpu.memory_space<vmem_shared>> -> memref<10008x128xf32, #tpu.memory_space<vmem_shared>>
      tpu.wait_indirect_dma semaphore(%arg9 : memref<!tpu.dma_semaphore, #tpu.memory_space<semaphore_mem>>) src(%arg7 : memref<128x128xf32, #tpu.memory_space<vmem>>) dst(%dma_wait3A_150 : memref<10008x128xf32, #tpu.memory_space<vmem_shared>>)
    }
    %scan3A_9 = arith.constant 10 : i32
    %barrier3A_10 = arith.constant 0 : index
    tpu.barrier barrier_id(%barrier3A_10)
    %lt3A_11 = arith.constant 10 : i32
    %lt3A_12 = arith.cmpi slt, %arg1, %lt3A_11 : i32
    %convert_element_type3A_13 = arith.extui %lt3A_12 : i1 to i32
    %cond3A_14 = arith.constant 0 : i32
    %cond3A_15 = arith.cmpi ne, %convert_element_type3A_13, %cond3A_14 : i32
    scf.if %cond3A_15 {
      %mul3A_16 = arith.constant 1000 : i32
      %mul3A_17 = arith.muli %arg1, %mul3A_16 : i32
      "tpu.region"() ({
        %run_scoped3A = tpu.sem_alloc : memref<!tpu.dma_semaphore, #tpu.memory_space<semaphore_mem>>
        %dma_start3A = arith.constant 0 : i32
        %dma_start3A_18 = tpu.memref_slice %arg5[%arg0, %mul3A_17, %dma_start3A] : memref<2x10000x128xf32, #tpu.memory_space<hbm>> -> memref<1x1000x128xf32, #tpu.memory_space<hbm>>
        %dma_start3A_19 = tpu.memref_squeeze %dma_start3A_18 : memref<1x1000x128xf32, #tpu.memory_space<hbm>> -> memref<1000x128xf32, #tpu.memory_space<hbm>>
        %dma_start3A_20 = arith.constant 0 : i32
        %dma_start3A_21 = tpu.memref_slice %arg8[%mul3A_17, %dma_start3A_20] : memref<10008x128xf32, #tpu.memory_space<vmem_shared>> -> memref<1000x128xf32, #tpu.memory_space<vmem_shared>>
        tpu.enqueue_dma source(%dma_start3A_21 : memref<1000x128xf32, #tpu.memory_space<vmem_shared>>) target(%dma_start3A_19 : memref<1000x128xf32, #tpu.memory_space<hbm>>) target_semaphore(%run_scoped3A : memref<!tpu.dma_semaphore, #tpu.memory_space<semaphore_mem>>)
        %dma_wait3A = arith.constant 0 : i32
        %dma_wait3A_22 = tpu.memref_slice %arg5[%arg0, %mul3A_17, %dma_wait3A] : memref<2x10000x128xf32, #tpu.memory_space<hbm>> -> memref<1x1000x128xf32, #tpu.memory_space<hbm>>
        %dma_wait3A_23 = tpu.memref_squeeze %dma_wait3A_22 : memref<1x1000x128xf32, #tpu.memory_space<hbm>> -> memref<1000x128xf32, #tpu.memory_space<hbm>>
        %dma_wait3A_24 = arith.constant 0 : i32
        %dma_wait3A_25 = tpu.memref_slice %arg8[%mul3A_17, %dma_wait3A_24] : memref<10008x128xf32, #tpu.memory_space<vmem_shared>> -> memref<1000x128xf32, #tpu.memory_space<vmem_shared>>
        tpu.wait_dma2 semaphore(%run_scoped3A : memref<!tpu.dma_semaphore, #tpu.memory_space<semaphore_mem>>) src(%dma_wait3A_25 : memref<1000x128xf32, #tpu.memory_space<vmem_shared>>) dst(%dma_wait3A_23 : memref<1000x128xf32, #tpu.memory_space<hbm>>)
        tpu.yield
      }) : () -> ()
    } else {
    }
    return
  }
}

module attributes {stable_mosaic.version = 14 : i64} {
  func.func @_mm_body(%arg0: i32, %arg1: memref<2000x128xf32, #tpu.memory_space<vmem>>, %arg2: memref<128x128xf32, #tpu.memory_space<vmem>>, %arg3: memref<2x2000x128xf32, #tpu.memory_space<vmem>>, %arg4: memref<2000x128xf32, #tpu.memory_space<vmem>>, %arg5: memref<2000x1xf32, #tpu.memory_space<vmem>>) attributes {dimension_semantics = [#tpu.dimension_semantics<arbitrary>], iteration_bounds = array<i64: 5>, scalar_prefetch = 0 : i64, scratch_operands = 0 : i64, tpu.core_type = #tpu.core_type<tc>, window_params = [{transform_indices = @transform_0, window_bounds = array<i64: 2000, 128>}, {pipeline_mode = #tpu.pipeline_mode<synchronous>, transform_indices = @transform_1, window_bounds = array<i64: 128, 128>}, {transform_indices = @transform_2, window_bounds = array<i64: 2, 2000, 128>}, {transform_indices = @transform_3, window_bounds = array<i64: 2000, 128>}, {transform_indices = @transform_4, window_bounds = array<i64: 2000, 1>}]} {
    %get3A = arith.constant 0 : index
    %get3A_0 = arith.constant 0 : index
    %get3A_1 = vector.load %arg1[%get3A, %get3A_0] : memref<2000x128xf32, #tpu.memory_space<vmem>>, vector<2000x128xf32>
    %get3A_2 = arith.constant 0 : index
    %get3A_3 = arith.constant 0 : index
    %get3A_4 = vector.load %arg2[%get3A_2, %get3A_3] : memref<128x128xf32, #tpu.memory_space<vmem>>, vector<128x128xf32>
    %dot_general3A = arith.constant dense<0.000000e+00> : vector<2000x128xf32>
    %dot_general3A_5 = tpu.matmul %get3A_1, %get3A_4, %dot_general3A {dimension_numbers = #tpu.dot_dimension_numbers<[1], [0], [0], [1], [0, 0, 1, 1], [], []>, transpose_lhs_hint = false} : vector<2000x128xf32>, vector<128x128xf32>, vector<2000x128xf32> -> vector<2000x128xf32>
    %get3A_6 = arith.constant 0 : index
    %get3A_7 = arith.constant 0 : index
    %get3A_8 = arith.constant 0 : index
    %get3A_9 = vector.load %arg3[%get3A_6, %get3A_7, %get3A_8] : memref<2x2000x128xf32, #tpu.memory_space<vmem>>, vector<1x2000x1xf32>
    %get3A_10 = vector.shape_cast %get3A_9 : vector<1x2000x1xf32> to vector<2000x1xf32>
    %get3A_11 = arith.constant 1 : index
    %get3A_12 = arith.constant 0 : index
    %get3A_13 = arith.constant 0 : index
    %get3A_14 = vector.load %arg3[%get3A_11, %get3A_12, %get3A_13] : memref<2x2000x128xf32, #tpu.memory_space<vmem>>, vector<1x2000x1xf32>
    %get3A_15 = vector.shape_cast %get3A_14 : vector<1x2000x1xf32> to vector<2000x1xf32>
    %add3A = arith.addf %get3A_10, %get3A_15 : vector<2000x1xf32>
    %add3A_16 = arith.constant 1.000000e+00 : f32
    %add3A_17 = vector.broadcast %add3A_16 : f32 to vector<2000x1xf32>
    %add3A_18 = arith.addf %add3A, %add3A_17 : vector<2000x1xf32>
    %rsqrt3A = math.rsqrt %add3A_18 : vector<2000x1xf32>
    %mul3A = vector.broadcast %rsqrt3A : vector<2000x1xf32> to vector<2000x128xf32>
    %mul3A_19 = arith.mulf %dot_general3A_5, %mul3A : vector<2000x128xf32>
    %swap3A = arith.constant 0 : index
    %swap3A_20 = arith.constant 0 : index
    %swap3A_21 = vector.load %arg4[%swap3A, %swap3A_20] : memref<2000x128xf32, #tpu.memory_space<vmem>>, vector<2000x128xf32>
    tpu.vector_store %arg4[%swap3A, %swap3A_20], %mul3A_19 {strides = array<i32>} : memref<2000x128xf32, #tpu.memory_space<vmem>>, vector<2000x128xf32>,
    %swap3A_22 = arith.constant 0 : index
    %swap3A_23 = arith.constant 0 : index
    %swap3A_24 = vector.load %arg5[%swap3A_22, %swap3A_23] : memref<2000x1xf32, #tpu.memory_space<vmem>>, vector<2000x1xf32>
    tpu.vector_store %arg5[%swap3A_22, %swap3A_23], %rsqrt3A {strides = array<i32>} : memref<2000x1xf32, #tpu.memory_space<vmem>>, vector<2000x1xf32>,
    return
  }
  func.func @transform_0(%arg0: i32) -> (i32, i32) {
    %c0_i32 = arith.constant 0 : i32
    %c0_i32_0 = arith.constant 0 : i32
    return %arg0, %c0_i32 : i32, i32
  }
  func.func @transform_1(%arg0: i32) -> (i32, i32) {
    %c0_i32 = arith.constant 0 : i32
    %c0_i32_0 = arith.constant 0 : i32
    %c0_i32_1 = arith.constant 0 : i32
    return %c0_i32, %c0_i32_0 : i32, i32
  }
  func.func @transform_2(%arg0: i32) -> (i32, i32, i32) {
    %c0_i32 = arith.constant 0 : i32
    %c0_i32_0 = arith.constant 0 : i32
    %c0_i32_1 = arith.constant 0 : i32
    return %c0_i32, %arg0, %c0_i32_0 : i32, i32, i32
  }
  func.func @transform_3(%arg0: i32) -> (i32, i32) {
    %c0_i32 = arith.constant 0 : i32
    %c0_i32_0 = arith.constant 0 : i32
    return %arg0, %c0_i32 : i32, i32
  }
  func.func @transform_4(%arg0: i32) -> (i32, i32) {
    %c0_i32 = arith.constant 0 : i32
    %c0_i32_0 = arith.constant 0 : i32
    return %arg0, %c0_i32 : i32, i32
  }
}

module attributes {stable_mosaic.version = 14 : i64} {
  func.func @_fin_body(%arg0: i32, %arg1: memref<2x2000x128xf32, #tpu.memory_space<vmem>>, %arg2: memref<2000x128xf32, #tpu.memory_space<vmem>>, %arg3: memref<2000x1xf32, #tpu.memory_space<vmem>>, %arg4: memref<1x128xf32, #tpu.memory_space<vmem>>, %arg5: memref<2000x128xf32, #tpu.memory_space<vmem>>) attributes {dimension_semantics = [#tpu.dimension_semantics<arbitrary>], iteration_bounds = array<i64: 5>, scalar_prefetch = 0 : i64, scratch_operands = 0 : i64, tpu.core_type = #tpu.core_type<tc>, window_params = [{transform_indices = @transform_0, window_bounds = array<i64: 2, 2000, 128>}, {transform_indices = @transform_1, window_bounds = array<i64: 2000, 128>}, {transform_indices = @transform_2, window_bounds = array<i64: 2000, 1>}, {pipeline_mode = #tpu.pipeline_mode<synchronous>, transform_indices = @transform_3, window_bounds = array<i64: 1, 128>}, {transform_indices = @transform_4, window_bounds = array<i64: 2000, 128>}]} {
    %get3A = arith.constant 0 : index
    %get3A_0 = arith.constant 0 : index
    %get3A_1 = arith.constant 0 : index
    %get3A_2 = vector.load %arg1[%get3A, %get3A_0, %get3A_1] : memref<2x2000x128xf32, #tpu.memory_space<vmem>>, vector<1x2000x128xf32>
    %get3A_3 = vector.shape_cast %get3A_2 : vector<1x2000x128xf32> to vector<2000x128xf32>
    %get3A_4 = arith.constant 1 : index
    %get3A_5 = arith.constant 0 : index
    %get3A_6 = arith.constant 0 : index
    %get3A_7 = vector.load %arg1[%get3A_4, %get3A_5, %get3A_6] : memref<2x2000x128xf32, #tpu.memory_space<vmem>>, vector<1x2000x128xf32>
    %get3A_8 = vector.shape_cast %get3A_7 : vector<1x2000x128xf32> to vector<2000x128xf32>
    %add3A = arith.addf %get3A_3, %get3A_8 : vector<2000x128xf32>
    %get3A_9 = arith.constant 0 : index
    %get3A_10 = arith.constant 0 : index
    %get3A_11 = vector.load %arg2[%get3A_9, %get3A_10] : memref<2000x128xf32, #tpu.memory_space<vmem>>, vector<2000x128xf32>
    %add3A_12 = arith.addf %add3A, %get3A_11 : vector<2000x128xf32>
    %get3A_13 = arith.constant 0 : index
    %get3A_14 = arith.constant 0 : index
    %get3A_15 = vector.load %arg3[%get3A_13, %get3A_14] : memref<2000x1xf32, #tpu.memory_space<vmem>>, vector<2000x1xf32>
    %mul3A = vector.broadcast %get3A_15 : vector<2000x1xf32> to vector<2000x128xf32>
    %mul3A_16 = arith.mulf %add3A_12, %mul3A : vector<2000x128xf32>
    %get3A_17 = arith.constant 0 : index
    %get3A_18 = arith.constant 0 : index
    %get3A_19 = vector.load %arg4[%get3A_17, %get3A_18] : memref<1x128xf32, #tpu.memory_space<vmem>>, vector<1x128xf32>
    %add3A_20 = vector.broadcast %get3A_19 : vector<1x128xf32> to vector<2000x128xf32>
    %add3A_21 = arith.addf %mul3A_16, %add3A_20 : vector<2000x128xf32>
    %max3A = arith.constant 0.000000e+00 : f32
    %max3A_22 = vector.broadcast %max3A : f32 to vector<2000x128xf32>
    %max3A_23 = arith.maximumf %add3A_21, %max3A_22 : vector<2000x128xf32>
    %swap3A = arith.constant 0 : index
    %swap3A_24 = arith.constant 0 : index
    %swap3A_25 = vector.load %arg5[%swap3A, %swap3A_24] : memref<2000x128xf32, #tpu.memory_space<vmem>>, vector<2000x128xf32>
    tpu.vector_store %arg5[%swap3A, %swap3A_24], %max3A_23 {strides = array<i32>} : memref<2000x128xf32, #tpu.memory_space<vmem>>, vector<2000x128xf32>,
    return
  }
  func.func @transform_0(%arg0: i32) -> (i32, i32, i32) {
    %c0_i32 = arith.constant 0 : i32
    %c0_i32_0 = arith.constant 0 : i32
    %c0_i32_1 = arith.constant 0 : i32
    return %c0_i32, %arg0, %c0_i32_0 : i32, i32, i32
  }
  func.func @transform_1(%arg0: i32) -> (i32, i32) {
    %c0_i32 = arith.constant 0 : i32
    %c0_i32_0 = arith.constant 0 : i32
    return %arg0, %c0_i32 : i32, i32
  }
  func.func @transform_2(%arg0: i32) -> (i32, i32) {
    %c0_i32 = arith.constant 0 : i32
    %c0_i32_0 = arith.constant 0 : i32
    return %arg0, %c0_i32 : i32, i32
  }
  func.func @transform_3(%arg0: i32) -> (i32, i32) {
    %c0_i32 = arith.constant 0 : i32
    %c0_i32_0 = arith.constant 0 : i32
    %c0_i32_1 = arith.constant 0 : i32
    return %c0_i32, %c0_i32_0 : i32, i32
  }
  func.func @transform_4(%arg0: i32) -> (i32, i32) {
    %c0_i32 = arith.constant 0 : i32
    %c0_i32_0 = arith.constant 0 : i32
    return %arg0, %c0_i32 : i32, i32
  }
}

</mosaic_0001>

<sc_bundles>
// kernel: kernel.6.cloned.1.call-start
scs
__scs_entry_jumppad:
0x0: {  	(pc) =	sbr.rel $0x88, $3  }
0x1: {  	(tag) =	ssettag $0x0;
	lr =	simm.s32 $0x1  }
0x2: {  	[smem:$0x3F9D] =	sst lr;
	_ =	strace $0xD0000000  }
0x3: {  	_ = 	snop  }
0x4: {  	_ = 	snop  }
0x5: {  	_ = 	snop  }
0x6: {  	_ = 	snop  }
0x7: {  	_ = 	snop  }
__scs_overlays_trampoline_lowered:
0x8: {  	[smem:$0x3FAC] =	sst s0  }
0x9: {  	[smem:$0x3FAD] =	sst s1  }
0xa: {  	[smem:$0x3FAE] =	sst s2  }
0xb: {  	[smem:$0x3FAF] =	sst s3  }
0xc: {  	[smem:$0x3FB0] =	sst s4  }
0xd: {  	[smem:$0x3FB1] =	sst s5  }
0xe: {  	[smem:$0x3FB2] =	sst s6  }
0xf: {  	[smem:$0x3FB3] =	sst s7  }
0x10: {  	[smem:$0x3FB4] =	sst s8  }
0x11: {  	[smem:$0x3FB5] =	sst s9;
	s0 =	simm.s32 @!p0 $0x0  }
0x12: {  	s1 =	sld [smem:$0x3F9B];
	s0 =	simm.s32 @p0 $0x1  }
0x13: {  	[smem:$0x3FB6] =	sst s0;
	s0 =	simm.s32 @!p1 $0x0  }
0x14: {  	s2 =	sld [smem:$0x3F9A];
	s0 =	simm.s32 @p1 $0x1  }
0x15: {  	[smem:$0x3FB7] =	sst s0;
	s0 =	simm.s32 @!p2 $0x0  }
0x16: {  	s3 =	sld [smem:$0x3FDB];
	s0 =	simm.s32 @p2 $0x1  }
0x17: {  	s4 =	simm.s32 $0x1BF5;
	[smem:$0x3FB9] =	sst s0  }
0x18: {  	s0 =	sld [smem:$0x3F9C];
	_ =	swait.ge [sflag:s4], $0x0  }
0x19: {  	s7 =	sld [smem:$0x3F9D]  }
0x1a: {  	s8 =	sadd.s32 $0xFFFFE003, lr  }
0x1b: {  	s9 =	sadd.s32 $0xFFFFFEF7, lr;
	s5 =	simm.s32 $0xFFFFFFFF;
	p2 =	slt.u32 s8, $0xFFFFF086  }
0x1c: {  	p1 =	slt.u32 s9, $0xF7A;
	s5 =	simm.s32 @!p2 $0x0  }
0x1d: {  	s5 =	simm.s32 @p1 $0x1;
	p0 =	seq.s32 s7, s2  }
0x1e: {  	s7 =	smul.u32 @!p0 $0xF7A, s2;
	p2 =	seq.s32 @!p0 s5, $0x0  }
0x1f: {  	s9 =	smul.u32 $0xF7A, s1;
	s8 =	simm.s32 @!p0 $0x1BF5;
	p2 =	por !p2, p0  }
0x20: {  	[sflag:s8] =	ssyncset.s32 @!p0 $0xFFFFF086;
	s6 =	sadd.s32 @!p0 s3, s7;
	s7 =	simm.s32 @!p0 $0x108  }
0x21: {  	s3 =	sadd.s32 s3, s9;
	s6 =	sadd.s32 @!p0 $0x88, s6;
	s7 =	simm.s32 @p2 $0x1082  }
0x22: {  	[simem:s7], [sflag:s8] =	dma.local @!p0 [hbm:s6], $0xF7A  }
0x23: {  	s9 =	sor.u32 $0xD0000000, s2;
	s6 =	simm.s32 $0x108;
	_ =	swait.ge @!p0 [sflag:s8], $0x0  }
0x24: {  	s3 =	sadd.s32 $0x88, s3;
	s6 =	simm.s32 @!p1 $0x1082;
	[sflag:s4] =	ssyncset.s32 $0xFFFFF086  }
0x25: {  	[simem:s6], [sflag:s4] =	dma.local [hbm:s3], $0xF7A  }
0x26: {  	[smem:$0x3F9D] =	sst s1;
	(tag) =	ssettag s2;
	_ =	strace s9  }
0x27: {  	s1 =	sld [smem:$0x3FAD]  }
0x28: {  	s2 =	sld [smem:$0x3FAE]  }
0x29: {  	s4 =	sld [smem:$0x3FB0]  }
0x2a: {  	p0 =	seq.s32 s5, $0x0;
	s5 =	sld [smem:$0x3FB1]  }
0x2b: {  	s6 =	sld [smem:$0x3FB2]  }
0x2c: {  	s7 =	sld [smem:$0x3FB3]  }
0x2d: {  	s3 =	simm.s32 $0x108;
	s8 =	sld [smem:$0x3FB4]  }
0x2e: {  	s3 =	simm.s32 @!p0 $0x1082;
	s9 =	sld [smem:$0x3FB5]  }
0x2f: {  	lr =	sadd.s32 s0, s3;
	s0 =	sld [smem:$0x3FAC]  }
0x30: {  	s3 =	sld [smem:$0x3FAF]  }
0x31: {  	[smem:$0x3FB8] =	sst s10  }
0x32: {  	s10 =	sld [smem:$0x3FB6];
	_ =	sdelay $0x3  }
0x33: {  	p0 =	seq.s32 s10, $0x1;
	s10 =	sld [smem:$0x3FB8];
	_ =	sdelay $0x3  }
0x34: {  	[smem:$0x3FB8] =	sst s10  }
0x35: {  	s10 =	sld [smem:$0x3FB7];
	_ =	sdelay $0x3  }
0x36: {  	p1 =	seq.s32 s10, $0x1;
	s10 =	sld [smem:$0x3FB8];
	_ =	sdelay $0x3  }
0x37: {  	[smem:$0x3FB8] =	sst s10  }
0x38: {  	s10 =	sld [smem:$0x3FB9]  }
0x39: {  	_ = 	snop;
	(pc) =	sbr.ind lr, $3  }
0x3a: {  	_ = 	snop  }
0x3b: {  	_ = 	snop  }
0x3c: {  	p2 =	seq.s32 s10, $0x1;
	s10 =	sld [smem:$0x3FB8]  }
0x3d: {  	_ =	shalt  }
0x3e: {  	_ =	shalt  }
0x3f: {  	_ =	shalt  }
0x40: {  	_ =	shalt  }
0x41: {  	_ =	shalt  }
0x42: {  	_ =	shalt  }
0x43: {  	_ =	shalt  }
0x44: {  	_ =	shalt  }
0x45: {  	_ =	shalt  }
0x46: {  	_ =	shalt  }
0x47: {  	_ =	shalt  }
0x48: {  	_ =	shalt  }
0x49: {  	_ =	shalt  }
0x4a: {  	_ =	shalt  }
0x4b: {  	_ =	shalt  }
0x4c: {  	_ =	shalt  }
0x4d: {  	_ =	shalt  }
0x4e: {  	_ =	shalt  }
0x4f: {  	_ =	shalt  }
0x50: {  	_ =	shalt  }
0x51: {  	_ =	shalt  }
0x52: {  	_ =	shalt  }
0x53: {  	_ =	shalt  }
0x54: {  	_ =	shalt  }
0x55: {  	_ =	shalt  }
0x56: {  	_ =	shalt  }
0x57: {  	_ =	shalt  }
0x58: {  	_ =	shalt  }
0x59: {  	_ =	shalt  }
0x5a: {  	_ =	shalt  }
0x5b: {  	_ =	shalt  }
0x5c: {  	_ =	shalt  }
0x5d: {  	_ =	shalt  }
0x5e: {  	_ =	shalt  }
0x5f: {  	_ =	shalt  }
0x60: {  	_ =	shalt  }
0x61: {  	_ =	shalt  }
0x62: {  	_ =	shalt  }
0x63: {  	_ =	shalt  }
0x64: {  	_ =	shalt  }
0x65: {  	_ =	shalt  }
0x66: {  	_ =	shalt  }
0x67: {  	_ =	shalt  }
0x68: {  	_ =	shalt  }
0x69: {  	_ =	shalt  }
0x6a: {  	_ =	shalt  }
0x6b: {  	_ =	shalt  }
0x6c: {  	_ =	shalt  }
0x6d: {  	_ =	shalt  }
0x6e: {  	_ =	shalt  }
0x6f: {  	_ =	shalt  }
0x70: {  	_ =	shalt  }
0x71: {  	_ =	shalt  }
0x72: {  	_ =	shalt  }
0x73: {  	_ =	shalt  }
0x74: {  	_ =	shalt  }
0x75: {  	_ =	shalt  }
0x76: {  	_ =	shalt  }
0x77: {  	_ =	shalt  }
0x78: {  	_ =	shalt  }
0x79: {  	_ =	shalt  }
0x7a: {  	_ =	shalt  }
0x7b: {  	_ =	shalt  }
0x7c: {  	_ =	shalt  }
0x7d: {  	_ =	shalt  }
0x7e: {  	_ =	shalt  }
0x7f: {  	_ =	shalt  }
0x80: {  	_ =	shalt  }
0x81: {  	_ =	shalt  }
0x82: {  	_ =	shalt  }
0x83: {  	_ =	shalt  }
0x84: {  	_ =	shalt  }
0x85: {  	_ =	shalt  }
0x86: {  	_ =	shalt  }
0x87: {  	_ =	shalt  }
.Lfunc_end0:
.L_simem_size_0:
called_computation_lowered:
.L_overlay_start_0:
0x88: {  	s2 =	sld [smem:$0x3FD9]  }
0x89: {  	s3 =	sld [smem:$0x3FFE];
	_ =	sdelay $0x1  }
0x8a: {  	s1 =	srdreg.scid  }
0x8b: {  	s0 =	sand.u32 $0x1, s1  }
0x8c: {  	s17 =	sshll.u32 s0, $0xA;
	s2 =	sadd.s32 s3, s2  }
0x8d: {  	s2 =	sadd.s32 s2, s17  }
0x8e: {  	[smem:$0x3FC4] =	sst s2  }
0x8f: {  	_ = 	snop  }
0x90: {  	s2 =	sld [smem:$0x3FD0];
	(tm) =	ssettm $0x1  }
0x91: {  	s18 =	sld [smem:$0x3FFB];
	_ =	sdelay $0x3  }
0x92: {  	_ =	strace s18  }
0x93: {  	s3 =	sld [smem:$0x3FFC];
	_ =	sdelay $0x3  }
0x94: {  	_ =	strace s3  }
0x95: {  	s3 =	sld [smem:$0x3FFD];
	_ =	sdelay $0x3  }
0x96: {  	_ =	strace s3  }
0x97: {  	_ =	strace $0x8FFFFFFF  }
0x98: {  	s19 =	sld [smem:$0x3FDB];
	_ =	sdelay $0x1  }
0x99: {  	s4 =	simm.s32 $_scs_section_size  }
0x9a: {  	s5 =	simm.s32 $_size__tile_overlayer_lowered;
	s6 =	simm.s32 $_tile_overlayer_lowered  }
0x9b: {  	s22 =	simm.s32 $0x1BFF;
	s21 =	sshll.u32 s6, $0x1;
	s3 =	sadd.s32 s4, s19  }
0x9c: {  	s7 =	simm.s32 $0x0;
	s20 =	sshll.u32 s5, $0x1;
	s5 =	sadd.s32 s21, s3  }
0x9d: {  	[timem:s7], [sflag:s22] =	dma.local [hbm:s5], s20  }
0x9e: {  	_ =	swait.ge [sflag:s22], s20  }
0x9f: {  	s4 =	ssub.s32 $0x0, s20;
	[sflag:s22] =	ssyncset.done $0x0  }
0xa0: {  	[sflag:s22] =	ssyncadd.s32 s4;
	_ =	sdelay $0x1  }
0xa1: {  	s23 =	simm.s32 $0x1B8B  }
0xa2: {  	_ =	swait.ge [sflag:s23], $0x1  }
0xa3: {  	[sflag:s23] =	ssyncset.done $0x0  }
0xa4: {  	s25 =	simm.s32 $0x1B8E;
	s24 =	sld [smem:$0x3FFE];
	[sflag:s23] =	ssyncadd.s32 $0xFFFFFFFF  }
0xa5: {  	s26 =	simm.s32 $execute0_lowered;
	[smem:$0x3FD2] =	sst s25  }
0xa6: {  	s5 =	sshll.u32 s26, $0x1;
	_ =	strace $0x80000046;
	[dreg:$0x1] =	wrdreg $0xFFFFFFFF  }
0xa7: {  	s28 =	simm.s32 $_size_execute0_lowered;
	s3 =	sadd.s32 s3, s5;
	[dreg:$0x0] =	wrdreg $0x0  }
0xa8: {  	s5 =	sshll.u32 s28, $0x1;
	[dreg:$0x2] =	wrdreg s3  }
0xa9: {  	[dreg:$0x3] =	wrdreg s5  }
0xaa: {  	[dreg:$0x4] =	wrdreg $0xC0  }
0xab: {  	_ =	task [dreg:s7], $0x5FFFF  }
0xac: {  	[dreg:$0x1] =	wrdreg $0xFFFFFFFF  }
0xad: {  	[dreg:$0x0] =	wrdreg $0x60  }
0xae: {  	[dreg:$0x2] =	wrdreg s2  }
0xaf: {  	[dreg:$0x3] =	wrdreg s24  }
0xb0: {  	[dreg:$0x4] =	wrdreg $0x68000  }
0xb1: {  	[dreg:$0x5] =	wrdreg $0x9  }
0xb2: {  	_ =	task.clear_ibuf [dreg:s7], $0x6FFFF;
	_ =	strace $0x90000046  }
0xb3: {  	s29 =	simm.s32 $0x9;
	_ =	strace $0x80000048  }
0xb4: {  	_ =	swait.ge [sflag:s29], $0x1  }
0xb5: {  	[sflag:s29] =	ssyncadd.s32 $0xFFFFFFFF  }
0xb6: {  	_ =	strace $0x90000048  }
0xb7: {  	_ =	sfence  }
0xb8: {  	s30 =	sld [smem:$0x0];
	_ =	sdelay $0x2  }
0xb9: {  	s31 =	sshll.u32 s1, $0xD;
	s1 =	sshrl.u32 s1, $0x2  }
0xba: {  	s3 =	sand.u32 $0x4000, s31;
	s1 =	sadd.s32 s1, s30  }
0xbb: {  	s0 =	sor.u32 s3, s0;
	s1 =	sshll.u32 s1, $0x11  }
0xbc: {  	s0 =	sor.u32 s1, s0  }
0xbd: {  	s0 =	sadd.s32 $0x8F2B, s0  }
0xbe: {  	[sflag:s0] =	ssyncadd.remote.s32 $0x1  }
0xbf: {  	_ =	sfence.sel $0xFFFF  }
0xc0: {  	[dreg:$0x0] =	wrdreg $0xFFFFFFFF;
	(pc) =	sbr.abs _section_cstart, $3  }
0xc1: {  	[dreg:$0x1] =	wrdreg $0xFFFFFFFF  }
0xc2: {  	_ =	task.clear_ibuf [dreg:s7], $0x2FFFF;
	_ =	strace $0x9FFFFFFF  }
0xc3: {  	(tm) =	ssettm $0x7FFFFFFF  }
tec
execute0_lowered:
.L_overlay_start_1:
0x0: {  	(tag) =	ssettag $0x1  }
0x1: {  	s6 =	rddreg [dreg:$0x0]  }
0x2: {  	s7 =	rddreg [dreg:$0x1]  }
0x3: {  	s1 =	rddreg [dreg:$0x2]  }
0x4: {  	s2 =	srdreg.scid;
	s0 =	rddreg [dreg:$0x3]  }
0x5: {  	s3 =	simm.s32 $0x0;
	s13 =	simm.s32 $0x80;
	s5 =	sand.u32 $0x1, s2  }
0x6: {  	s14 =	simm.s32 $0x1;
	s2 =	stileid.u32;
	s8 =	smul.u32 $0x138800, s5  }
0x7: {  	s15 =	simm.s32 $0x0;
	[smem:$0x7FF] =	sst s3;
	s9 =	smul.u32 $0x1F400, s2  }
0x8: {  	s4 =	sshll.u32 s5, $0x4;
	_ =	strace $0x80000047;
	s29 =	ssub.s32 $0x2, s5  }
0x9: {  	s11 =	smul.u32 $0x7D000, s2;
	s5 =	sadd.s32 $0x16400, s7;
	p0 =	sgt.u32 s2, $0x9  }
0xa: {  	s10 =	sor.u32 s2, s4;
	s4 =	sadd.s32 $0x15C00, s7;
	s30 =	sshrl.u32 s29, $0x1  }
0xb: {  	s8 =	sadd.s32 s9, s8;
	s28 =	smul.u32 $0x500, s10;
	s31 =	sshrl.u32 s11, $0x2  }
0xc: {  	s9 =	simm.s32 $0x2;
	s11 =	sshll.u32 @!p0 s2, $0x6;
	s10 =	simm.s32 $0x2800  }
0xd: {  	s8 =	sshrl.u32 s8, $0x3;
	s12 =	sadd.s32 s31, s1;
	s11 =	sor.u32 @!p0 $0x1C02, s11  }
0xe: {  	s7 =	sadd.s32 s8, s7;
	s8 =	ssub.s32 s29, s30;
	s6 =	sadd.s32 s6, s28  }
0xf: {  	s12 =	sshrl.u32 @!p0 s12, $0x3;
	s7 =	sadd.s32 $0x1A400, s7;
	s8 =	smax.u32 s8, $0x1  }
.LBB2_1:
0x10: {  	[tilespmem:s3], [sflag:$0x2] =	stream.linear.gather [hbm4b:s6+s3], $0x2800, $0x38;
	[tilespmem:$0x1A0C0] =	vst v63  }
0x11: {  	_ =	swait.ge [sflag:s9], $0x2800  }
0x12: {  	[sflag:s9] =	ssyncset.done $0x0  }
0x13: {  	[sflag:s9] =	ssyncadd.s32 $0xFFFFD800  }
0x14: {  	[tilespmem:s10], [sflag:$0x2] =	stream.linear.gather [hbm4b:s4+s3], $0x4000, $0x38;
	[tilespmem:$0x1A0C0] =	vst v63  }
0x15: {  	_ =	swait.ge [sflag:s9], $0x4000  }
0x16: {  	[sflag:s9] =	ssyncset.done $0x0  }
0x17: {  	s16 =	simm.s32 @!p0 $0x2;
	[sflag:s9] =	ssyncadd.s32 $0xFFFFC000  }
0x18: {  	[spmem:s12], [sflag:s11] =	dma.local @!p0 [hbm:s5], $0x3E80  }
0x19: {  	_ =	swait.ge @!p0 [sflag:s16], $0x3E80  }
0x1a: {  	[sflag:s16] =	ssyncset.done @!p0 $0x0  }
0x1b: {  	[sflag:s16] =	ssyncadd.s32 @!p0 $0xFFFFC180  }
0x1c: {  	s23 =	simm.s32 $0x0;
	[bflag:$0x0] =	sbarrier.arrive $0xFFFF  }
0x1d: {  	[spmem:s1] =	stream.indirect.scatter.add.f32 [tilespmem:s10], [sflag:$0x1], $0x80, s23, s13, $0xb8;
	[tilespmem:$0x1A0C0] =	vst v63  }
0x1e: {  	s24 =	simm.s32 $0x80  }
0x1f: {  	[spmem:s1] =	stream.indirect.scatter.add.f32 [tilespmem:s10], [sflag:$0x1], $0x80, s24, s13, $0xb8;
	[tilespmem:$0x1A0C0] =	vst v63  }
0x20: {  	s25 =	simm.s32 $0x100  }
0x21: {  	[spmem:s1] =	stream.indirect.scatter.add.f32 [tilespmem:s10], [sflag:$0x1], $0x80, s25, s13, $0xb8;
	[tilespmem:$0x1A0C0] =	vst v63  }
0x22: {  	s26 =	simm.s32 $0x180  }
0x23: {  	[spmem:s1] =	stream.indirect.scatter.add.f32 [tilespmem:s10], [sflag:$0x1], $0x80, s26, s13, $0xb8;
	[tilespmem:$0x1A0C0] =	vst v63  }
0x24: {  	s28 =	simm.s32 $0x200  }
0x25: {  	[spmem:s1] =	stream.indirect.scatter.add.f32 [tilespmem:s10], [sflag:$0x1], $0x80, s28, s13, $0xb8;
	[tilespmem:$0x1A0C0] =	vst v63  }
0x26: {  	s29 =	simm.s32 $0x280  }
0x27: {  	[spmem:s1] =	stream.indirect.scatter.add.f32 [tilespmem:s10], [sflag:$0x1], $0x80, s29, s13, $0xb8;
	[tilespmem:$0x1A0C0] =	vst v63  }
0x28: {  	s30 =	simm.s32 $0x300  }
0x29: {  	[spmem:s1] =	stream.indirect.scatter.add.f32 [tilespmem:s10], [sflag:$0x1], $0x80, s30, s13, $0xb8;
	[tilespmem:$0x1A0C0] =	vst v63  }
0x2a: {  	s31 =	simm.s32 $0x380  }
0x2b: {  	[spmem:s1] =	stream.indirect.scatter.add.f32 [tilespmem:s10], [sflag:$0x1], $0x80, s31, s13, $0xb8;
	[tilespmem:$0x1A0C0] =	vst v63  }
0x2c: {  	_ =	swait.ge [sflag:s14], $0x4000  }
0x2d: {  	[sflag:s14] =	ssyncset.done $0x0  }
0x2e: {  	[sflag:s14] =	ssyncadd.s32 $0xFFFFC000  }
0x2f: {  	_ =	swait.ge [sflag:s14], $0x4000  }
0x30: {  	[sflag:s14] =	ssyncset.done $0x0  }
0x31: {  	[sflag:s14] =	ssyncadd.s32 $0xFFFFC000  }
0x32: {  	_ =	swait.ge [sflag:s14], $0x4000  }
0x33: {  	[sflag:s14] =	ssyncset.done $0x0  }
0x34: {  	[sflag:s14] =	ssyncadd.s32 $0xFFFFC000  }
0x35: {  	_ =	swait.ge [sflag:s14], $0x4000  }
0x36: {  	[sflag:s14] =	ssyncset.done $0x0  }
0x37: {  	[sflag:s14] =	ssyncadd.s32 $0xFFFFC000  }
0x38: {  	_ =	swait.ge [sflag:s14], $0x4000  }
0x39: {  	[sflag:s14] =	ssyncset.done $0x0  }
0x3a: {  	[sflag:s14] =	ssyncadd.s32 $0xFFFFC000  }
0x3b: {  	_ =	swait.ge [sflag:s14], $0x4000  }
0x3c: {  	[sflag:s14] =	ssyncset.done $0x0  }
0x3d: {  	[sflag:s14] =	ssyncadd.s32 $0xFFFFC000  }
0x3e: {  	_ =	swait.ge [sflag:s14], $0x4000  }
0x3f: {  	[sflag:s14] =	ssyncset.done $0x0  }
0x40: {  	[sflag:s14] =	ssyncadd.s32 $0xFFFFC000  }
0x41: {  	_ =	swait.ge [sflag:s14], $0x4000  }
0x42: {  	s18 =	simm.s32 $0x2000;
	s16 =	simm.s32 $0x1000;
	[sflag:s14] =	ssyncset.done $0x0  }
.LBB2_2:
0x43: {  	s19 =	sshra.s32 s16, $0x2  }
0x44: {  	[sflag:s14] =	ssyncadd.s32 $0xFFFFC000;
	s16 =	smov.u32 s18;
	s17 =	sadd.s32 $0x1000, s18  }
0x45: {  	[spmem:s1] =	stream.indirect.scatter.add.f32 [tilespmem:s10], [sflag:$0x1], $0x80, s19, s13, $0xb8;
	[tilespmem:$0x1A0C0] =	vst v63  }
0x46: {  	p1 =	sne.s32 s18, $0x9000;
	s18 =	sadd.s32 $0x80, s19  }
0x47: {  	[spmem:s1] =	stream.indirect.scatter.add.f32 [tilespmem:s10], [sflag:$0x1], $0x80, s18, s13, $0xb8;
	[tilespmem:$0x1A0C0] =	vst v63  }
0x48: {  	s18 =	sadd.s32 $0x100, s19  }
0x49: {  	[spmem:s1] =	stream.indirect.scatter.add.f32 [tilespmem:s10], [sflag:$0x1], $0x80, s18, s13, $0xb8;
	[tilespmem:$0x1A0C0] =	vst v63  }
0x4a: {  	s18 =	sadd.s32 $0x180, s19  }
0x4b: {  	[spmem:s1] =	stream.indirect.scatter.add.f32 [tilespmem:s10], [sflag:$0x1], $0x80, s18, s13, $0xb8;
	[tilespmem:$0x1A0C0] =	vst v63  }
0x4c: {  	s18 =	sadd.s32 $0x200, s19  }
0x4d: {  	[spmem:s1] =	stream.indirect.scatter.add.f32 [tilespmem:s10], [sflag:$0x1], $0x80, s18, s13, $0xb8;
	[tilespmem:$0x1A0C0] =	vst v63  }
0x4e: {  	s18 =	sadd.s32 $0x280, s19  }
0x4f: {  	[spmem:s1] =	stream.indirect.scatter.add.f32 [tilespmem:s10], [sflag:$0x1], $0x80, s18, s13, $0xb8;
	[tilespmem:$0x1A0C0] =	vst v63  }
0x50: {  	s18 =	sadd.s32 $0x300, s19  }
0x51: {  	[spmem:s1] =	stream.indirect.scatter.add.f32 [tilespmem:s10], [sflag:$0x1], $0x80, s18, s13, $0xb8;
	[tilespmem:$0x1A0C0] =	vst v63  }
0x52: {  	s18 =	sadd.s32 $0x380, s19  }
0x53: {  	[spmem:s1] =	stream.indirect.scatter.add.f32 [tilespmem:s10], [sflag:$0x1], $0x80, s18, s13, $0xb8;
	[tilespmem:$0x1A0C0] =	vst v63  }
0x54: {  	_ =	swait.ge [sflag:s14], $0x4000  }
0x55: {  	[sflag:s14] =	ssyncset.done $0x0  }
0x56: {  	[sflag:s14] =	ssyncadd.s32 $0xFFFFC000  }
0x57: {  	_ =	swait.ge [sflag:s14], $0x4000  }
0x58: {  	[sflag:s14] =	ssyncset.done $0x0  }
0x59: {  	[sflag:s14] =	ssyncadd.s32 $0xFFFFC000  }
0x5a: {  	_ =	swait.ge [sflag:s14], $0x4000  }
0x5b: {  	[sflag:s14] =	ssyncset.done $0x0  }
0x5c: {  	[sflag:s14] =	ssyncadd.s32 $0xFFFFC000  }
0x5d: {  	_ =	swait.ge [sflag:s14], $0x4000  }
0x5e: {  	[sflag:s14] =	ssyncset.done $0x0  }
0x5f: {  	[sflag:s14] =	ssyncadd.s32 $0xFFFFC000  }
0x60: {  	_ =	swait.ge [sflag:s14], $0x4000  }
0x61: {  	[sflag:s14] =	ssyncset.done $0x0  }
0x62: {  	[sflag:s14] =	ssyncadd.s32 $0xFFFFC000  }
0x63: {  	_ =	swait.ge [sflag:s14], $0x4000  }
0x64: {  	[sflag:s14] =	ssyncset.done $0x0  }
0x65: {  	[sflag:s14] =	ssyncadd.s32 $0xFFFFC000  }
.Ltmp0:
0x66: {  	_ =	swait.ge [sflag:s14], $0x4000;
	(pc) =	sbr.rel @p1 .LBB2_2-.Ltmp0, $4  }
0x67: {  	[sflag:s14] =	ssyncset.done $0x0  }
0x68: {  	[sflag:s14] =	ssyncadd.s32 $0xFFFFC000  }
0x69: {  	_ =	swait.ge [sflag:s14], $0x4000  }
0x6a: {  	s18 =	smov.u32 s17;
	[sflag:s14] =	ssyncset.done $0x0  }
0x6b: {  	s16 =	sshra.s32 s16, $0x2;
	[sflag:s14] =	ssyncadd.s32 $0xFFFFC000  }
0x6c: {  	[spmem:s1] =	stream.indirect.scatter.add.f32 [tilespmem:s10], [sflag:$0x1], $0x80, s16, s13, $0xb8;
	[tilespmem:$0x1A0C0] =	vst v63  }
0x6d: {  	s17 =	sadd.s32 $0x80, s16  }
0x6e: {  	[spmem:s1] =	stream.indirect.scatter.add.f32 [tilespmem:s10], [sflag:$0x1], $0x80, s17, s13, $0xb8;
	[tilespmem:$0x1A0C0] =	vst v63  }
0x6f: {  	s26 =	sadd.s32 $0x100, s16  }
0x70: {  	[spmem:s1] =	stream.indirect.scatter.add.f32 [tilespmem:s10], [sflag:$0x1], $0x80, s26, s13, $0xb8;
	[tilespmem:$0x1A0C0] =	vst v63  }
0x71: {  	s28 =	sadd.s32 $0x180, s16  }
0x72: {  	[spmem:s1] =	stream.indirect.scatter.add.f32 [tilespmem:s10], [sflag:$0x1], $0x80, s28, s13, $0xb8;
	[tilespmem:$0x1A0C0] =	vst v63  }
0x73: {  	s29 =	sadd.s32 $0x200, s16  }
0x74: {  	[spmem:s1] =	stream.indirect.scatter.add.f32 [tilespmem:s10], [sflag:$0x1], $0x80, s29, s13, $0xb8;
	[tilespmem:$0x1A0C0] =	vst v63  }
0x75: {  	s30 =	sadd.s32 $0x280, s16  }
0x76: {  	[spmem:s1] =	stream.indirect.scatter.add.f32 [tilespmem:s10], [sflag:$0x1], $0x80, s30, s13, $0xb8;
	[tilespmem:$0x1A0C0] =	vst v63  }
0x77: {  	s31 =	sadd.s32 $0x300, s16  }
0x78: {  	[spmem:s1] =	stream.indirect.scatter.add.f32 [tilespmem:s10], [sflag:$0x1], $0x80, s31, s13, $0xb8;
	[tilespmem:$0x1A0C0] =	vst v63  }
0x79: {  	s16 =	sadd.s32 $0x380, s16  }
0x7a: {  	[spmem:s1] =	stream.indirect.scatter.add.f32 [tilespmem:s10], [sflag:$0x1], $0x80, s16, s13, $0xb8;
	[tilespmem:$0x1A0C0] =	vst v63  }
0x7b: {  	_ =	swait.ge [sflag:s14], $0x4000  }
0x7c: {  	[sflag:s14] =	ssyncset.done $0x0  }
0x7d: {  	[sflag:s14] =	ssyncadd.s32 $0xFFFFC000  }
0x7e: {  	_ =	swait.ge [sflag:s14], $0x4000  }
0x7f: {  	[sflag:s14] =	ssyncset.done $0x0  }
0x80: {  	[sflag:s14] =	ssyncadd.s32 $0xFFFFC000  }
0x81: {  	_ =	swait.ge [sflag:s14], $0x4000  }
0x82: {  	[sflag:s14] =	ssyncset.done $0x0  }
0x83: {  	[sflag:s14] =	ssyncadd.s32 $0xFFFFC000  }
0x84: {  	_ =	swait.ge [sflag:s14], $0x4000  }
0x85: {  	[sflag:s14] =	ssyncset.done $0x0  }
0x86: {  	[sflag:s14] =	ssyncadd.s32 $0xFFFFC000  }
0x87: {  	_ =	swait.ge [sflag:s14], $0x4000  }
0x88: {  	[sflag:s14] =	ssyncset.done $0x0  }
0x89: {  	[sflag:s14] =	ssyncadd.s32 $0xFFFFC000  }
0x8a: {  	_ =	swait.ge [sflag:s14], $0x4000  }
0x8b: {  	[sflag:s14] =	ssyncset.done $0x0  }
0x8c: {  	[sflag:s14] =	ssyncadd.s32 $0xFFFFC000  }
0x8d: {  	_ =	swait.ge [sflag:s14], $0x4000  }
0x8e: {  	[sflag:s14] =	ssyncset.done $0x0  }
0x8f: {  	[sflag:s14] =	ssyncadd.s32 $0xFFFFC000  }
0x90: {  	_ =	swait.ge [sflag:s14], $0x4000  }
0x91: {  	s15 =	sadd.s32 $0x1, s15;
	[sflag:s14] =	ssyncset.done $0x0  }
0x92: {  	p1 =	sne.s32 s15, s8;
	[sflag:s14] =	ssyncadd.s32 $0xFFFFC000  }
.Ltmp1:
0x93: {  	s16 =	simm.s32 @!p0 $0x2;
	[bflag:$0x0] =	sbarrier.arrive $0xFFFF;
	(pc) =	sbr.rel @p1 .LBB2_1-.Ltmp1, $4  }
0x94: {  	[hbm:s7], [sflag:s11] =	dma.local @!p0 [spmem:s12], $0x3E80  }
0x95: {  	_ =	swait.ge @!p0 [sflag:s16], $0x3E80  }
0x96: {  	[sflag:s16] =	ssyncset.done @!p0 $0x0  }
0x97: {  	[sflag:s16] =	ssyncadd.s32 @!p0 $0xFFFFC180  }
0x98: {  	_ =	sfence.sel $0x180000  }
0x99: {  	[bflag:$0x0] =	sbarrier.arrive $0xFFFF  }
0x9a: {  	p0 =	sne.s32 s2, $0x0;
	_ =	strace $0x90000047  }
0x9b: {  	s0 =	sadd.s32 @!p0 $0x100000, s0;
	[bflag:$0x2] =	sbarrier.arrive $0xFFFF  }
0x9c: {  	[sflag:s0] =	ssyncadd.tile.s32 @!p0 $0x1;
	_ =	shalt  }
.Lfunc_end2:
_tile_overlayer_lowered:
.L_overlay_start_2:
0x9d: {  	(tag) =	ssettag $0x2  }
0x9e: {  	s0 =	rddreg [dreg:$0x0];
	s2 =	stileid.u32  }
0x9f: {  	s1 =	rddreg [dreg:$0x1];
	p0 =	sne.s32 s2, $0x0  }
0xa0: {  	s3 =	rddreg [dreg:$0x2];
	[bflag:$0x3] =	sbarrier.arrive $0xFFFF;
	s2 =	simm.s32 @!p0 $0x1C02  }
0xa1: {  	[timem:s3], [sflag:s2] =	dma.local @!p0 [hbm:s0], s1  }
0xa2: {  	s0 =	simm.s32 @!p0 $0x2  }
0xa3: {  	_ =	swait.ge @!p0 [sflag:s0], s1  }
0xa4: {  	s1 =	ssub.s32 @!p0 $0x0, s1;
	[sflag:s0] =	ssyncset.done @!p0 $0x0  }
0xa5: {  	[sflag:s0] =	ssyncadd.s32 @!p0 s1  }
0xa6: {  	[bflag:$0x3] =	sbarrier.arrive $0xFFFF  }
0xa7: {  	_ =	shalt  }

// kernel: kernel.9.cloned.1.call-start
scs
__scs_entry_jumppad:
0x0: {  	(pc) =	sbr.rel $0x88, $3  }
0x1: {  	(tag) =	ssettag $0x0;
	lr =	simm.s32 $0x1  }
0x2: {  	[smem:$0x3F9D] =	sst lr;
	_ =	strace $0xD0000000  }
0x3: {  	_ = 	snop  }
0x4: {  	_ = 	snop  }
0x5: {  	_ = 	snop  }
0x6: {  	_ = 	snop  }
0x7: {  	_ = 	snop  }
__scs_overlays_trampoline_lowered:
0x8: {  	[smem:$0x3FAC] =	sst s0  }
0x9: {  	[smem:$0x3FAD] =	sst s1  }
0xa: {  	[smem:$0x3FAE] =	sst s2  }
0xb: {  	[smem:$0x3FAF] =	sst s3  }
0xc: {  	[smem:$0x3FB0] =	sst s4  }
0xd: {  	[smem:$0x3FB1] =	sst s5  }
0xe: {  	[smem:$0x3FB2] =	sst s6  }
0xf: {  	[smem:$0x3FB3] =	sst s7  }
0x10: {  	[smem:$0x3FB4] =	sst s8  }
0x11: {  	[smem:$0x3FB5] =	sst s9;
	s0 =	simm.s32 @!p0 $0x0  }
0x12: {  	s1 =	sld [smem:$0x3F9B];
	s0 =	simm.s32 @p0 $0x1  }
0x13: {  	[smem:$0x3FB6] =	sst s0;
	s0 =	simm.s32 @!p1 $0x0  }
0x14: {  	s2 =	sld [smem:$0x3F9A];
	s0 =	simm.s32 @p1 $0x1  }
0x15: {  	[smem:$0x3FB7] =	sst s0;
	s0 =	simm.s32 @!p2 $0x0  }
0x16: {  	s3 =	sld [smem:$0x3FDB];
	s0 =	simm.s32 @p2 $0x1  }
0x17: {  	s4 =	simm.s32 $0x1BF5;
	[smem:$0x3FB9] =	sst s0  }
0x18: {  	s0 =	sld [smem:$0x3F9C];
	_ =	swait.ge [sflag:s4], $0x0  }
0x19: {  	s7 =	sld [smem:$0x3F9D]  }
0x1a: {  	s8 =	sadd.s32 $0xFFFFE003, lr  }
0x1b: {  	s9 =	sadd.s32 $0xFFFFFEF7, lr;
	s5 =	simm.s32 $0xFFFFFFFF;
	p2 =	slt.u32 s8, $0xFFFFF086  }
0x1c: {  	p1 =	slt.u32 s9, $0xF7A;
	s5 =	simm.s32 @!p2 $0x0  }
0x1d: {  	s5 =	simm.s32 @p1 $0x1;
	p0 =	seq.s32 s7, s2  }
0x1e: {  	s7 =	smul.u32 @!p0 $0xF7A, s2;
	p2 =	seq.s32 @!p0 s5, $0x0  }
0x1f: {  	s9 =	smul.u32 $0xF7A, s1;
	s8 =	simm.s32 @!p0 $0x1BF5;
	p2 =	por !p2, p0  }
0x20: {  	[sflag:s8] =	ssyncset.s32 @!p0 $0xFFFFF086;
	s6 =	sadd.s32 @!p0 s3, s7;
	s7 =	simm.s32 @!p0 $0x108  }
0x21: {  	s3 =	sadd.s32 s3, s9;
	s6 =	sadd.s32 @!p0 $0x88, s6;
	s7 =	simm.s32 @p2 $0x1082  }
0x22: {  	[simem:s7], [sflag:s8] =	dma.local @!p0 [hbm:s6], $0xF7A  }
0x23: {  	s9 =	sor.u32 $0xD0000000, s2;
	s6 =	simm.s32 $0x108;
	_ =	swait.ge @!p0 [sflag:s8], $0x0  }
0x24: {  	s3 =	sadd.s32 $0x88, s3;
	s6 =	simm.s32 @!p1 $0x1082;
	[sflag:s4] =	ssyncset.s32 $0xFFFFF086  }
0x25: {  	[simem:s6], [sflag:s4] =	dma.local [hbm:s3], $0xF7A  }
0x26: {  	[smem:$0x3F9D] =	sst s1;
	(tag) =	ssettag s2;
	_ =	strace s9  }
0x27: {  	s1 =	sld [smem:$0x3FAD]  }
0x28: {  	s2 =	sld [smem:$0x3FAE]  }
0x29: {  	s4 =	sld [smem:$0x3FB0]  }
0x2a: {  	p0 =	seq.s32 s5, $0x0;
	s5 =	sld [smem:$0x3FB1]  }
0x2b: {  	s6 =	sld [smem:$0x3FB2]  }
0x2c: {  	s7 =	sld [smem:$0x3FB3]  }
0x2d: {  	s3 =	simm.s32 $0x108;
	s8 =	sld [smem:$0x3FB4]  }
0x2e: {  	s3 =	simm.s32 @!p0 $0x1082;
	s9 =	sld [smem:$0x3FB5]  }
0x2f: {  	lr =	sadd.s32 s0, s3;
	s0 =	sld [smem:$0x3FAC]  }
0x30: {  	s3 =	sld [smem:$0x3FAF]  }
0x31: {  	[smem:$0x3FB8] =	sst s10  }
0x32: {  	s10 =	sld [smem:$0x3FB6];
	_ =	sdelay $0x3  }
0x33: {  	p0 =	seq.s32 s10, $0x1;
	s10 =	sld [smem:$0x3FB8];
	_ =	sdelay $0x3  }
0x34: {  	[smem:$0x3FB8] =	sst s10  }
0x35: {  	s10 =	sld [smem:$0x3FB7];
	_ =	sdelay $0x3  }
0x36: {  	p1 =	seq.s32 s10, $0x1;
	s10 =	sld [smem:$0x3FB8];
	_ =	sdelay $0x3  }
0x37: {  	[smem:$0x3FB8] =	sst s10  }
0x38: {  	s10 =	sld [smem:$0x3FB9]  }
0x39: {  	_ = 	snop;
	(pc) =	sbr.ind lr, $3  }
0x3a: {  	_ = 	snop  }
0x3b: {  	_ = 	snop  }
0x3c: {  	p2 =	seq.s32 s10, $0x1;
	s10 =	sld [smem:$0x3FB8]  }
0x3d: {  	_ =	shalt  }
0x3e: {  	_ =	shalt  }
0x3f: {  	_ =	shalt  }
0x40: {  	_ =	shalt  }
0x41: {  	_ =	shalt  }
0x42: {  	_ =	shalt  }
0x43: {  	_ =	shalt  }
0x44: {  	_ =	shalt  }
0x45: {  	_ =	shalt  }
0x46: {  	_ =	shalt  }
0x47: {  	_ =	shalt  }
0x48: {  	_ =	shalt  }
0x49: {  	_ =	shalt  }
0x4a: {  	_ =	shalt  }
0x4b: {  	_ =	shalt  }
0x4c: {  	_ =	shalt  }
0x4d: {  	_ =	shalt  }
0x4e: {  	_ =	shalt  }
0x4f: {  	_ =	shalt  }
0x50: {  	_ =	shalt  }
0x51: {  	_ =	shalt  }
0x52: {  	_ =	shalt  }
0x53: {  	_ =	shalt  }
0x54: {  	_ =	shalt  }
0x55: {  	_ =	shalt  }
0x56: {  	_ =	shalt  }
0x57: {  	_ =	shalt  }
0x58: {  	_ =	shalt  }
0x59: {  	_ =	shalt  }
0x5a: {  	_ =	shalt  }
0x5b: {  	_ =	shalt  }
0x5c: {  	_ =	shalt  }
0x5d: {  	_ =	shalt  }
0x5e: {  	_ =	shalt  }
0x5f: {  	_ =	shalt  }
0x60: {  	_ =	shalt  }
0x61: {  	_ =	shalt  }
0x62: {  	_ =	shalt  }
0x63: {  	_ =	shalt  }
0x64: {  	_ =	shalt  }
0x65: {  	_ =	shalt  }
0x66: {  	_ =	shalt  }
0x67: {  	_ =	shalt  }
0x68: {  	_ =	shalt  }
0x69: {  	_ =	shalt  }
0x6a: {  	_ =	shalt  }
0x6b: {  	_ =	shalt  }
0x6c: {  	_ =	shalt  }
0x6d: {  	_ =	shalt  }
0x6e: {  	_ =	shalt  }
0x6f: {  	_ =	shalt  }
0x70: {  	_ =	shalt  }
0x71: {  	_ =	shalt  }
0x72: {  	_ =	shalt  }
0x73: {  	_ =	shalt  }
0x74: {  	_ =	shalt  }
0x75: {  	_ =	shalt  }
0x76: {  	_ =	shalt  }
0x77: {  	_ =	shalt  }
0x78: {  	_ =	shalt  }
0x79: {  	_ =	shalt  }
0x7a: {  	_ =	shalt  }
0x7b: {  	_ =	shalt  }
0x7c: {  	_ =	shalt  }
0x7d: {  	_ =	shalt  }
0x7e: {  	_ =	shalt  }
0x7f: {  	_ =	shalt  }
0x80: {  	_ =	shalt  }
0x81: {  	_ =	shalt  }
0x82: {  	_ =	shalt  }
0x83: {  	_ =	shalt  }
0x84: {  	_ =	shalt  }
0x85: {  	_ =	shalt  }
0x86: {  	_ =	shalt  }
0x87: {  	_ =	shalt  }
.Lfunc_end0:
.L_simem_size_0:
called_computation.1_lowered:
.L_overlay_start_0:
0x88: {  	s2 =	sld [smem:$0x3FD9]  }
0x89: {  	s3 =	sld [smem:$0x3FFE];
	_ =	sdelay $0x1  }
0x8a: {  	s1 =	srdreg.scid  }
0x8b: {  	s0 =	sand.u32 $0x1, s1  }
0x8c: {  	s17 =	sshll.u32 s0, $0xA;
	s2 =	sadd.s32 s3, s2  }
0x8d: {  	s2 =	sadd.s32 s2, s17  }
0x8e: {  	[smem:$0x3FC4] =	sst s2  }
0x8f: {  	_ = 	snop  }
0x90: {  	s2 =	sld [smem:$0x3FD0];
	(tm) =	ssettm $0x1  }
0x91: {  	s18 =	sld [smem:$0x3FFB];
	_ =	sdelay $0x3  }
0x92: {  	_ =	strace s18  }
0x93: {  	s3 =	sld [smem:$0x3FFC];
	_ =	sdelay $0x3  }
0x94: {  	_ =	strace s3  }
0x95: {  	s3 =	sld [smem:$0x3FFD];
	_ =	sdelay $0x3  }
0x96: {  	_ =	strace s3  }
0x97: {  	_ =	strace $0x8FFFFFFF  }
0x98: {  	s19 =	sld [smem:$0x3FDB];
	_ =	sdelay $0x1  }
0x99: {  	s4 =	simm.s32 $_scs_section_size  }
0x9a: {  	s5 =	simm.s32 $_size__tile_overlayer_lowered;
	s6 =	simm.s32 $_tile_overlayer_lowered  }
0x9b: {  	s22 =	simm.s32 $0x1BFF;
	s21 =	sshll.u32 s6, $0x1;
	s3 =	sadd.s32 s4, s19  }
0x9c: {  	s7 =	simm.s32 $0x0;
	s20 =	sshll.u32 s5, $0x1;
	s5 =	sadd.s32 s21, s3  }
0x9d: {  	[timem:s7], [sflag:s22] =	dma.local [hbm:s5], s20  }
0x9e: {  	_ =	swait.ge [sflag:s22], s20  }
0x9f: {  	s4 =	ssub.s32 $0x0, s20;
	[sflag:s22] =	ssyncset.done $0x0  }
0xa0: {  	[sflag:s22] =	ssyncadd.s32 s4;
	_ =	sdelay $0x1  }
0xa1: {  	s23 =	simm.s32 $0x1B8B  }
0xa2: {  	_ =	swait.ge [sflag:s23], $0x1  }
0xa3: {  	[sflag:s23] =	ssyncset.done $0x0  }
0xa4: {  	s25 =	simm.s32 $0x1B8E;
	s24 =	sld [smem:$0x3FFE];
	[sflag:s23] =	ssyncadd.s32 $0xFFFFFFFF  }
0xa5: {  	s26 =	simm.s32 $execute0_lowered;
	[smem:$0x3FD2] =	sst s25  }
0xa6: {  	s5 =	sshll.u32 s26, $0x1;
	_ =	strace $0x80000049;
	[dreg:$0x1] =	wrdreg $0xFFFFFFFF  }
0xa7: {  	s28 =	simm.s32 $_size_execute0_lowered;
	s3 =	sadd.s32 s3, s5;
	[dreg:$0x0] =	wrdreg $0x0  }
0xa8: {  	s5 =	sshll.u32 s28, $0x1;
	[dreg:$0x2] =	wrdreg s3  }
0xa9: {  	[dreg:$0x3] =	wrdreg s5  }
0xaa: {  	[dreg:$0x4] =	wrdreg $0xC0  }
0xab: {  	_ =	task [dreg:s7], $0x5FFFF  }
0xac: {  	[dreg:$0x1] =	wrdreg $0xFFFFFFFF  }
0xad: {  	[dreg:$0x0] =	wrdreg $0x60  }
0xae: {  	[dreg:$0x2] =	wrdreg s24  }
0xaf: {  	[dreg:$0x3] =	wrdreg s2  }
0xb0: {  	[dreg:$0x4] =	wrdreg $0xC4000  }
0xb1: {  	[dreg:$0x5] =	wrdreg $0x9  }
0xb2: {  	_ =	task.clear_ibuf [dreg:s7], $0x6FFFF;
	_ =	strace $0x90000049  }
0xb3: {  	s29 =	simm.s32 $0x9;
	_ =	strace $0x8000004B  }
0xb4: {  	_ =	swait.ge [sflag:s29], $0x1  }
0xb5: {  	[sflag:s29] =	ssyncadd.s32 $0xFFFFFFFF  }
0xb6: {  	_ =	strace $0x9000004B  }
0xb7: {  	_ =	sfence  }
0xb8: {  	s30 =	sld [smem:$0x0];
	_ =	sdelay $0x2  }
0xb9: {  	s31 =	sshll.u32 s1, $0xD;
	s1 =	sshrl.u32 s1, $0x2  }
0xba: {  	s3 =	sand.u32 $0x4000, s31;
	s1 =	sadd.s32 s1, s30  }
0xbb: {  	s0 =	sor.u32 s3, s0;
	s1 =	sshll.u32 s1, $0x11  }
0xbc: {  	s0 =	sor.u32 s1, s0  }
0xbd: {  	s0 =	sadd.s32 $0x8F2B, s0  }
0xbe: {  	[sflag:s0] =	ssyncadd.remote.s32 $0x1  }
0xbf: {  	_ =	sfence.sel $0xFFFF  }
0xc0: {  	[dreg:$0x0] =	wrdreg $0xFFFFFFFF;
	(pc) =	sbr.abs _section_cstart, $3  }
0xc1: {  	[dreg:$0x1] =	wrdreg $0xFFFFFFFF  }
0xc2: {  	_ =	task.clear_ibuf [dreg:s7], $0x2FFFF;
	_ =	strace $0x9FFFFFFF  }
0xc3: {  	(tm) =	ssettm $0x7FFFFFFF  }
tec
execute0_lowered:
.L_overlay_start_1:
0x0: {  	(tag) =	ssettag $0x1  }
0x1: {  	s0 =	rddreg [dreg:$0x0]  }
0x2: {  	s1 =	rddreg [dreg:$0x1]  }
0x3: {  	s2 =	rddreg [dreg:$0x2]  }
0x4: {  	s4 =	simm.s32 $0x0;
	s3 =	srdreg.scid;
	s12 =	stileid.u32  }
0x5: {  	s28 =	simm.s32 $0x300;
	s29 =	simm.s32 $0x6;
	s30 =	simm.s32 $0x8400  }
0x6: {  	[smem:$0x7FF] =	sst s4;
	s3 =	sand.u32 $0x1, s3;
	s8 =	smul.u32 $0x1F400, s12  }
0x7: {  	s5 =	sadd.s32 $0xBC00, s0;
	s6 =	sadd.s32 $0x1C00, s0;
	s20 =	smul.u32 $0x7D000, s12  }
0x8: {  	s10 =	sadd.s32 $0x16400, s0;
	s11 =	smul.u32 $0x2800, s12;
	p0 =	sgt.u32 s12, $0x9  }
0x9: {  	s31 =	simm.s32 $0x2;
	s7 =	smul.u32 $0x138800, s3;
	_ =	strace $0x8000004A  }
0xa: {  	s9 =	sshll.u32 s3, $0x4;
	[dreg:$0x4] =	wrdreg s10;
	s19 =	ssub.s32 $0x2, s3  }
0xb: {  	s3 =	smul.u32 $0x28000, s3;
	s9 =	sor.u32 s12, s9;
	s21 =	sshrl.u32 s19, $0x1  }
0xc: {  	s10 =	sshrl.u32 s20, $0x2;
	s20 =	simm.s32 $0x200;
	s7 =	sadd.s32 s8, s7  }
0xd: {  	s18 =	smul.u32 $0x2800, s9;
	s9 =	sadd.s32 s10, s2;
	s3 =	sadd.s32 s11, s3  }
0xe: {  	s7 =	sshrl.u32 s7, $0x3;
	s25 =	sor.u32 $0x200, s3;
	s26 =	sor.u32 $0x180, s3  }
0xf: {  	s3 =	sor.u32 $0x100, s3;
	s0 =	sadd.s32 s7, s0;
	s8 =	sshrl.u32 s18, $0x3  }
0x10: {  	s7 =	ssub.s32 s19, s21;
	s14 =	sshrl.u32 s25, $0x3;
	s15 =	sshrl.u32 s26, $0x3  }
0x11: {  	s16 =	sshrl.u32 s3, $0x3;
	s18 =	sshrl.u32 @!p0 s9, $0x3;
	s19 =	simm.s32 $0x7  }
0x12: {  	s21 =	simm.s32 $0x80;
	s25 =	simm.s32 $0x1;
	s26 =	simm.s32 $0x100  }
0x13: {  	s3 =	simm.s32 $0x3;
	s22 =	sadd.s32 s5, s8;
	s23 =	sadd.s32 s6, s8  }
0x14: {  	s8 =	sor.u32 $0x10, s8;
	s0 =	sadd.s32 $0x1A400, s0;
	[dreg:$0x5] =	wrdreg s22  }
0x15: {  	s13 =	smax.u32 s7, $0x1;
	s7 =	simm.s32 $0x5;
	[dreg:$0x6] =	wrdreg s23  }
0x16: {  	s24 =	sadd.s32 s5, s8;
	s8 =	sadd.s32 s6, s8;
	[dreg:$0x9] =	wrdreg s0  }
0x17: {  	s0 =	sshll.u32 @!p0 s12, $0x6;
	s22 =	simm.s32 $0x400;
	[dreg:$0x7] =	wrdreg s24  }
0x18: {  	s23 =	simm.s32 $0x280;
	[dreg:$0x8] =	wrdreg s8;
	s17 =	sor.u32 @!p0 $0x1C07, s0  }
0x19: {  	s24 =	simm.s32 $0x4400;
	s0 =	simm.s32 $0x4;
	s8 =	simm.s32 $0x0  }
.LBB2_1:
0x1a: {  	s9 =	rddreg [dreg:$0x4]  }
0x1b: {  	[spmem:s18], [sflag:s17] =	dma.local @!p0 [hbm:s9], $0x3E80  }
0x1c: {  	s9 =	simm.s32 @!p0 $0x7  }
0x1d: {  	_ =	swait.ge @!p0 [sflag:s9], $0x3E80  }
0x1e: {  	[sflag:s9] =	ssyncset.done @!p0 $0x0  }
0x1f: {  	[sflag:s9] =	ssyncadd.s32 @!p0 $0xFFFFC180  }
0x20: {  	[bflag:$0x0] =	sbarrier.arrive $0xFFFF  }
0x21: {  	s12 =	rddreg [dreg:$0x5]  }
0x22: {  	[tilespmem:s4], [sflag:$0x7] =	stream.linear.gather [hbm4b:s12+s4], $0x80, $0x38;
	[tilespmem:$0x1FCC0] =	vst v63  }
0x23: {  	_ =	swait.ge [sflag:s19], $0x80  }
0x24: {  	[sflag:s19] =	ssyncset.done $0x0  }
0x25: {  	s10 =	rddreg [dreg:$0x6];
	[sflag:s19] =	ssyncadd.s32 $0xFFFFFF80  }
0x26: {  	[tilespmem:s20], [sflag:$0x7] =	stream.linear.gather [hbm4b:s10+s4], $0x80, $0x38;
	[tilespmem:$0x1FCC0] =	vst v63  }
0x27: {  	_ =	swait.ge [sflag:s19], $0x80  }
0x28: {  	[sflag:s19] =	ssyncset.done $0x0  }
0x29: {  	[sflag:s19] =	ssyncadd.s32 $0xFFFFFF80  }
0x2a: {  	[tilespmem:s22], [sflag:$0x1] =	stream.indirect.gather [hbm4b:s1+s21], $0x80, s4, s21, $0xb8;
	[tilespmem:$0x1FCC0] =	vst v63  }
0x2b: {  	s11 =	rddreg [dreg:$0x7]  }
0x2c: {  	[tilespmem:s21], [sflag:$0x7] =	stream.linear.gather [hbm4b:s11+s4], $0x80, $0x38;
	[tilespmem:$0x1FCC0] =	vst v63  }
0x2d: {  	_ =	swait.ge [sflag:s19], $0x80  }
0x2e: {  	[sflag:s19] =	ssyncset.done $0x0  }
0x2f: {  	s12 =	rddreg [dreg:$0x8];
	[sflag:s19] =	ssyncadd.s32 $0xFFFFFF80  }
0x30: {  	[tilespmem:s23], [sflag:$0x7] =	stream.linear.gather [hbm4b:s12+s4], $0x80, $0x38;
	[tilespmem:$0x1FCC0] =	vst v63  }
0x31: {  	_ =	swait.ge [sflag:s19], $0x80  }
0x32: {  	[sflag:s19] =	ssyncset.done $0x0  }
0x33: {  	[sflag:s19] =	ssyncadd.s32 $0xFFFFFF80  }
0x34: {  	[tilespmem:s24], [sflag:$0x2] =	stream.indirect.gather [hbm4b:s1+s21], $0x80, s21, s21, $0xb8;
	[tilespmem:$0x1FCC0] =	vst v63  }
0x35: {  	_ =	swait.ge [sflag:s25], $0x4000  }
0x36: {  	[sflag:s25] =	ssyncset.done $0x0  }
0x37: {  	s10 =	sadd.s32 s5, s16;
	[sflag:s25] =	ssyncadd.s32 $0xFFFFC000  }
0x38: {  	[tilespmem:s26], [sflag:$0x6] =	stream.linear.gather [hbm4b:s10+s4], $0x80, $0x38;
	[tilespmem:$0x1FCC0] =	vst v63  }
0x39: {  	s11 =	sadd.s32 s6, s16  }
0x3a: {  	[tilespmem:s28], [sflag:$0x6] =	stream.linear.gather [hbm4b:s11+s4], $0x80, $0x38;
	[tilespmem:$0x1FCC0] =	vst v63  }
0x3b: {  	_ = 	snop  }
0x3c: {  	[spmem:s2] =	stream.indirect.scatter.add.f32 [tilespmem:s22], [sflag:$0x7], $0x80, s20, s21, $0xb8;
	[tilespmem:$0x1FCC0] =	vst v63  }
0x3d: {  	_ =	swait.ge [sflag:s19], $0x4000  }
0x3e: {  	[sflag:s19] =	ssyncset.done $0x0  }
0x3f: {  	[sflag:s19] =	ssyncadd.s32 $0xFFFFC000  }
0x40: {  	_ =	swait.ge [sflag:s29], $0x80  }
0x41: {  	[sflag:s29] =	ssyncset.done $0x0  }
0x42: {  	[sflag:s29] =	ssyncadd.s32 $0xFFFFFF80  }
0x43: {  	_ =	swait.ge [sflag:s29], $0x80  }
0x44: {  	[sflag:s29] =	ssyncset.done $0x0  }
0x45: {  	[sflag:s29] =	ssyncadd.s32 $0xFFFFFF80  }
0x46: {  	[tilespmem:s30], [sflag:$0x3] =	stream.indirect.gather [hbm4b:s1+s21], $0x80, s26, s21, $0xb8;
	[tilespmem:$0x1FCC0] =	vst v63  }
0x47: {  	_ =	swait.ge [sflag:s31], $0x4000  }
0x48: {  	[sflag:s31] =	ssyncset.done $0x0  }
0x49: {  	s12 =	sadd.s32 s5, s15;
	[sflag:s31] =	ssyncadd.s32 $0xFFFFC000  }
0x4a: {  	[tilespmem:s4], [sflag:$0x4] =	stream.linear.gather [hbm4b:s12+s4], $0x80, $0x38;
	[tilespmem:$0x1FCC0] =	vst v63  }
0x4b: {  	s10 =	sadd.s32 s6, s15  }
0x4c: {  	[tilespmem:s20], [sflag:$0x4] =	stream.linear.gather [hbm4b:s10+s4], $0x80, $0x38;
	[tilespmem:$0x1FCC0] =	vst v63  }
0x4d: {  	_ = 	snop  }
0x4e: {  	[spmem:s2] =	stream.indirect.scatter.add.f32 [tilespmem:s24], [sflag:$0x7], $0x80, s23, s21, $0xb8;
	[tilespmem:$0x1FCC0] =	vst v63  }
0x4f: {  	_ =	swait.ge [sflag:s19], $0x4000  }
0x50: {  	[sflag:s19] =	ssyncset.done $0x0  }
0x51: {  	[sflag:s19] =	ssyncadd.s32 $0xFFFFC000  }
0x52: {  	_ =	swait.ge [sflag:s0], $0x80  }
0x53: {  	[sflag:s0] =	ssyncset.done $0x0  }
0x54: {  	[sflag:s0] =	ssyncadd.s32 $0xFFFFFF80  }
0x55: {  	_ =	swait.ge [sflag:s0], $0x80  }
0x56: {  	[sflag:s0] =	ssyncset.done $0x0  }
0x57: {  	[sflag:s0] =	ssyncadd.s32 $0xFFFFFF80  }
0x58: {  	[tilespmem:s22], [sflag:$0x1] =	stream.indirect.gather [hbm4b:s1+s21], $0x80, s4, s21, $0xb8;
	[tilespmem:$0x1FCC0] =	vst v63  }
0x59: {  	_ =	swait.ge [sflag:s3], $0x4000  }
0x5a: {  	[sflag:s3] =	ssyncset.done $0x0  }
0x5b: {  	s11 =	sadd.s32 s5, s14;
	[sflag:s3] =	ssyncadd.s32 $0xFFFFC000  }
0x5c: {  	[tilespmem:s21], [sflag:$0x5] =	stream.linear.gather [hbm4b:s11+s4], $0x80, $0x38;
	[tilespmem:$0x1FCC0] =	vst v63  }
0x5d: {  	s12 =	sadd.s32 s6, s14  }
0x5e: {  	[tilespmem:s23], [sflag:$0x5] =	stream.linear.gather [hbm4b:s12+s4], $0x80, $0x38;
	[tilespmem:$0x1FCC0] =	vst v63  }
0x5f: {  	_ = 	snop  }
0x60: {  	[spmem:s2] =	stream.indirect.scatter.add.f32 [tilespmem:s30], [sflag:$0x7], $0x80, s28, s21, $0xb8;
	[tilespmem:$0x1FCC0] =	vst v63  }
0x61: {  	_ =	swait.ge [sflag:s19], $0x4000  }
0x62: {  	[sflag:s19] =	ssyncset.done $0x0  }
0x63: {  	[sflag:s19] =	ssyncadd.s32 $0xFFFFC000  }
0x64: {  	_ =	swait.ge [sflag:s7], $0x80  }
0x65: {  	[sflag:s7] =	ssyncset.done $0x0  }
0x66: {  	[sflag:s7] =	ssyncadd.s32 $0xFFFFFF80  }
0x67: {  	_ =	swait.ge [sflag:s7], $0x80  }
0x68: {  	s9 =	simm.s32 $0x19;
	[sflag:s7] =	ssyncset.done $0x0  }
0x69: {  	s10 =	sadd.s32 $0x30, s6;
	s11 =	sadd.s32 $0x30, s5;
	[sflag:s7] =	ssyncadd.s32 $0xFFFFFF80  }
.LBB2_2:
0x6a: {  	[tilespmem:s24], [sflag:$0x2] =	stream.indirect.gather [hbm4b:s1+s21], $0x80, s21, s21, $0xb8;
	[tilespmem:$0x1FCC0] =	vst v63  }
0x6b: {  	p1 =	sne.s32 s9, $0x1;
	s9 =	sadd.s32 $0xFFFFFFFF, s9;
	_ =	swait.ge [sflag:s25], $0x4000  }
0x6c: {  	[sflag:s25] =	ssyncset.done $0x0  }
0x6d: {  	s12 =	sadd.s32 s11, s16;
	[sflag:s25] =	ssyncadd.s32 $0xFFFFC000  }
0x6e: {  	[tilespmem:s26], [sflag:$0x6] =	stream.linear.gather [hbm4b:s12+s4], $0x80, $0x38;
	[tilespmem:$0x1FCC0] =	vst v63  }
0x6f: {  	s12 =	sadd.s32 s10, s16  }
0x70: {  	[tilespmem:s28], [sflag:$0x6] =	stream.linear.gather [hbm4b:s12+s4], $0x80, $0x38;
	[tilespmem:$0x1FCC0] =	vst v63  }
0x71: {  	_ = 	snop  }
0x72: {  	[spmem:s2] =	stream.indirect.scatter.add.f32 [tilespmem:s22], [sflag:$0x7], $0x80, s20, s21, $0xb8;
	[tilespmem:$0x1FCC0] =	vst v63  }
0x73: {  	_ =	swait.ge [sflag:s19], $0x4000  }
0x74: {  	[sflag:s19] =	ssyncset.done $0x0  }
0x75: {  	[sflag:s19] =	ssyncadd.s32 $0xFFFFC000  }
0x76: {  	_ =	swait.ge [sflag:s29], $0x80  }
0x77: {  	[sflag:s29] =	ssyncset.done $0x0  }
0x78: {  	[sflag:s29] =	ssyncadd.s32 $0xFFFFFF80  }
0x79: {  	_ =	swait.ge [sflag:s29], $0x80  }
0x7a: {  	[sflag:s29] =	ssyncset.done $0x0  }
0x7b: {  	[sflag:s29] =	ssyncadd.s32 $0xFFFFFF80  }
0x7c: {  	[tilespmem:s30], [sflag:$0x3] =	stream.indirect.gather [hbm4b:s1+s21], $0x80, s26, s21, $0xb8;
	[tilespmem:$0x1FCC0] =	vst v63  }
0x7d: {  	_ =	swait.ge [sflag:s31], $0x4000  }
0x7e: {  	[sflag:s31] =	ssyncset.done $0x0  }
0x7f: {  	s12 =	sadd.s32 s11, s15;
	[sflag:s31] =	ssyncadd.s32 $0xFFFFC000  }
0x80: {  	[tilespmem:s4], [sflag:$0x4] =	stream.linear.gather [hbm4b:s12+s4], $0x80, $0x38;
	[tilespmem:$0x1FCC0] =	vst v63  }
0x81: {  	s12 =	sadd.s32 s10, s15  }
0x82: {  	[tilespmem:s20], [sflag:$0x4] =	stream.linear.gather [hbm4b:s12+s4], $0x80, $0x38;
	[tilespmem:$0x1FCC0] =	vst v63  }
0x83: {  	_ = 	snop  }
0x84: {  	[spmem:s2] =	stream.indirect.scatter.add.f32 [tilespmem:s24], [sflag:$0x7], $0x80, s23, s21, $0xb8;
	[tilespmem:$0x1FCC0] =	vst v63  }
0x85: {  	_ =	swait.ge [sflag:s19], $0x4000  }
0x86: {  	[sflag:s19] =	ssyncset.done $0x0  }
0x87: {  	[sflag:s19] =	ssyncadd.s32 $0xFFFFC000  }
0x88: {  	_ =	swait.ge [sflag:s0], $0x80  }
0x89: {  	[sflag:s0] =	ssyncset.done $0x0  }
0x8a: {  	[sflag:s0] =	ssyncadd.s32 $0xFFFFFF80  }
0x8b: {  	_ =	swait.ge [sflag:s0], $0x80  }
0x8c: {  	[sflag:s0] =	ssyncset.done $0x0  }
0x8d: {  	[sflag:s0] =	ssyncadd.s32 $0xFFFFFF80  }
0x8e: {  	[tilespmem:s22], [sflag:$0x1] =	stream.indirect.gather [hbm4b:s1+s21], $0x80, s4, s21, $0xb8;
	[tilespmem:$0x1FCC0] =	vst v63  }
0x8f: {  	_ =	swait.ge [sflag:s3], $0x4000  }
0x90: {  	[sflag:s3] =	ssyncset.done $0x0  }
0x91: {  	s12 =	sadd.s32 s11, s14;
	[sflag:s3] =	ssyncadd.s32 $0xFFFFC000  }
0x92: {  	[tilespmem:s21], [sflag:$0x5] =	stream.linear.gather [hbm4b:s12+s4], $0x80, $0x38;
	[tilespmem:$0x1FCC0] =	vst v63  }
0x93: {  	s12 =	sadd.s32 s10, s14  }
0x94: {  	[tilespmem:s23], [sflag:$0x5] =	stream.linear.gather [hbm4b:s12+s4], $0x80, $0x38;
	[tilespmem:$0x1FCC0] =	vst v63  }
0x95: {  	_ = 	snop  }
0x96: {  	[spmem:s2] =	stream.indirect.scatter.add.f32 [tilespmem:s30], [sflag:$0x7], $0x80, s28, s21, $0xb8;
	[tilespmem:$0x1FCC0] =	vst v63  }
0x97: {  	_ =	swait.ge [sflag:s19], $0x4000  }
0x98: {  	[sflag:s19] =	ssyncset.done $0x0  }
0x99: {  	[sflag:s19] =	ssyncadd.s32 $0xFFFFC000  }
0x9a: {  	_ =	swait.ge [sflag:s7], $0x80  }
.Ltmp0:
0x9b: {  	[sflag:s7] =	ssyncset.done $0x0;
	(pc) =	sbr.rel @p1 .LBB2_2-.Ltmp0, $4  }
0x9c: {  	[sflag:s7] =	ssyncadd.s32 $0xFFFFFF80  }
0x9d: {  	_ =	swait.ge [sflag:s7], $0x80  }
0x9e: {  	[sflag:s7] =	ssyncset.done $0x0  }
0x9f: {  	s11 =	sadd.s32 $0x30, s11;
	s10 =	sadd.s32 $0x30, s10;
	[sflag:s7] =	ssyncadd.s32 $0xFFFFFF80  }
0xa0: {  	[tilespmem:s24], [sflag:$0x2] =	stream.indirect.gather [hbm4b:s1+s21], $0x80, s21, s21, $0xb8;
	[tilespmem:$0x1FCC0] =	vst v63  }
0xa1: {  	_ =	swait.ge [sflag:s25], $0x4000  }
0xa2: {  	[sflag:s25] =	ssyncset.done $0x0  }
0xa3: {  	[sflag:s25] =	ssyncadd.s32 $0xFFFFC000  }
0xa4: {  	[spmem:s2] =	stream.indirect.scatter.add.f32 [tilespmem:s22], [sflag:$0x7], $0x80, s20, s21, $0xb8;
	[tilespmem:$0x1FCC0] =	vst v63  }
0xa5: {  	_ =	swait.ge [sflag:s19], $0x4000  }
0xa6: {  	[sflag:s19] =	ssyncset.done $0x0  }
0xa7: {  	[sflag:s19] =	ssyncadd.s32 $0xFFFFC000  }
0xa8: {  	_ =	swait.ge [sflag:s31], $0x4000  }
0xa9: {  	[sflag:s31] =	ssyncset.done $0x0  }
0xaa: {  	[sflag:s31] =	ssyncadd.s32 $0xFFFFC000  }
0xab: {  	[spmem:s2] =	stream.indirect.scatter.add.f32 [tilespmem:s24], [sflag:$0x7], $0x80, s23, s21, $0xb8;
	[tilespmem:$0x1FCC0] =	vst v63  }
0xac: {  	_ =	swait.ge [sflag:s19], $0x4000  }
0xad: {  	[sflag:s19] =	ssyncset.done $0x0  }
0xae: {  	[sflag:s19] =	ssyncadd.s32 $0xFFFFC000  }
0xaf: {  	s8 =	sadd.s32 $0x1, s8;
	[bflag:$0x0] =	sbarrier.arrive $0xFFFF  }
0xb0: {  	p1 =	sne.s32 s8, s13;
	s9 =	rddreg [dreg:$0x9]  }
0xb1: {  	[hbm:s9], [sflag:s17] =	dma.local @!p0 [spmem:s18], $0x3E80  }
.Ltmp1:
0xb2: {  	_ = 	snop;
	(pc) =	sbr.rel @p1 .LBB2_1-.Ltmp1, $4  }
0xb3: {  	s9 =	simm.s32 @!p0 $0x7  }
0xb4: {  	_ =	swait.ge @!p0 [sflag:s9], $0x3E80  }
0xb5: {  	[sflag:s9] =	ssyncset.done @!p0 $0x0  }
0xb6: {  	[sflag:s9] =	ssyncadd.s32 @!p0 $0xFFFFC180  }
0xb7: {  	_ =	sfence.sel $0x180000  }
0xb8: {  	[bflag:$0x0] =	sbarrier.arrive $0xFFFF  }
0xb9: {  	_ =	strace $0x9000004A  }
0xba: {  	s0 =	stileid.u32;
	[bflag:$0x2] =	sbarrier.arrive $0xFFFF  }
0xbb: {  	p0 =	sne.s32 s0, $0x0;
	s0 =	rddreg [dreg:$0x3]  }
0xbc: {  	s0 =	sadd.s32 @!p0 $0x100000, s0  }
0xbd: {  	[sflag:s0] =	ssyncadd.tile.s32 @!p0 $0x1;
	_ =	shalt  }
.Lfunc_end2:
_tile_overlayer_lowered:
.L_overlay_start_2:
0xbe: {  	(tag) =	ssettag $0x2  }
0xbf: {  	s0 =	rddreg [dreg:$0x0];
	s2 =	stileid.u32  }
0xc0: {  	s1 =	rddreg [dreg:$0x1];
	p0 =	sne.s32 s2, $0x0  }
0xc1: {  	s3 =	rddreg [dreg:$0x2];
	[bflag:$0x3] =	sbarrier.arrive $0xFFFF;
	s2 =	simm.s32 @!p0 $0x1C07  }
0xc2: {  	[timem:s3], [sflag:s2] =	dma.local @!p0 [hbm:s0], s1  }
0xc3: {  	s0 =	simm.s32 @!p0 $0x7  }
0xc4: {  	_ =	swait.ge @!p0 [sflag:s0], s1  }
0xc5: {  	s1 =	ssub.s32 @!p0 $0x0, s1;
	[sflag:s0] =	ssyncset.done @!p0 $0x0  }
0xc6: {  	[sflag:s0] =	ssyncadd.s32 @!p0 s1  }
0xc7: {  	[bflag:$0x3] =	sbarrier.arrive $0xFFFF  }
0xc8: {  	_ =	shalt  }

</sc_bundles>
